<compile_context>
chip_gen: v7x
topology: tpu7x:2x2x1
jax: 0.10.2.dev20260603
libtpu: 0.0.44.dev20260713+nightly
codegen_flags: <defaults>
</compile_context>

<pallas_src>
import functools

import jax
import jax.numpy as jnp
from jax import lax
from jax.experimental import pallas as pl
from jax.experimental.pallas import tpu as pltpu
from jax.experimental.pallas import tpu_sc as plsc

B, C, T_IN, T_OUT = 32, 2, 480000, 600000
T_OUT_PAD = 600064
OUT_CHUNK = 16_640
IN_CHUNK = OUT_CHUNK * 4 // 5
N_FULL = 36
TAIL_OUT = T_OUT_PAD - N_FULL * OUT_CHUNK
TAIL_IN_OFF = N_FULL * IN_CHUNK
TAIL_IN = T_IN - TAIL_IN_OFF
SUPER = OUT_CHUNK // 80
TAIL_VECS = TAIL_OUT // 16


def _resample(x):
    mesh = plsc.VectorSubcoreMesh(core_axis_name="c", subcore_axis_name="s")

    @functools.partial(
        pl.kernel,
        out_type=jax.ShapeDtypeStruct((B, C, T_OUT_PAD), jnp.float32),
        mesh=mesh,
        scratch_types=[
            pltpu.VMEM((C, IN_CHUNK), jnp.float32),
            pltpu.VMEM((C, IN_CHUNK), jnp.float32),
            pltpu.VMEM((C, OUT_CHUNK), jnp.float32),
            pltpu.VMEM((C, OUT_CHUNK), jnp.float32),
            pltpu.VMEM((C, TAIL_IN), jnp.float32),
            pltpu.VMEM((C, TAIL_OUT), jnp.float32),
            pltpu.SemaphoreType.DMA((2,)),
            pltpu.SemaphoreType.DMA((2,)),
            pltpu.SemaphoreType.DMA,
            pltpu.SemaphoreType.DMA,
        ],
        compiler_params=pltpu.CompilerParams(
            needs_layout_passes=False,
            skip_device_barrier=True,
            disable_bounds_checks=True,
        ),
    )
    def k(x_hbm, out_hbm, in_v0, in_v1, out_v0, out_v1, tail_in_v,
          tail_out_v, in_sem, out_sem, tail_in_sem, tail_out_sem):
        in_bufs = (in_v0, in_v1)
        out_bufs = (out_v0, out_v1)
        wid = lax.axis_index("s") * 2 + lax.axis_index("c")

        lane = lax.iota(jnp.int32, 16)
        bases = [lax.div(4 * (16 * i + lane) + 2, 5) for i in range(5)]
        chans = [jnp.full((16,), ch, jnp.int32) for ch in range(C)]

        def in_copy(m, b):
            return pltpu.make_async_copy(
                x_hbm.at[wid, :, pl.ds(m * IN_CHUNK, IN_CHUNK)],
                in_bufs[b],
                in_sem.at[b],
            )

        def out_copy(m, b):
            return pltpu.make_async_copy(
                out_bufs[b],
                out_hbm.at[wid, :, pl.ds(m * OUT_CHUNK, OUT_CHUNK)],
                out_sem.at[b],
            )

        tail_in = pltpu.make_async_copy(
            x_hbm.at[wid, :, pl.ds(TAIL_IN_OFF, TAIL_IN)],
            tail_in_v,
            tail_in_sem,
        )
        tail_out = pltpu.make_async_copy(
            tail_out_v,
            out_hbm.at[wid, :, pl.ds(N_FULL * OUT_CHUNK, TAIL_OUT)],
            tail_out_sem,
        )

        tail_in.start()
        in_copy(0, 0).start()
        in_copy(1, 1).start()

        tail_in.wait()
        for ch in range(C):

            @plsc.parallel_loop(0, TAIL_VECS, unroll=4)
            def tail_step(t):
                j = 16 * t + lane
                idx = jnp.minimum(lax.div(4 * j + 2, 5), TAIL_IN - 1)
                v = plsc.load_gather(tail_in_v, [chans[ch], idx])
                tail_out_v[ch, pl.ds(16 * t, 16)] = v

        tail_out.start()

        def outer(g, carry):
            for b in range(2):
                m = 2 * g + b
                in_copy(m, b).wait()

                @pl.when(g >= 1)
                def _():
                    out_copy(m - 2, b).wait()

                for ch in range(C):

                    @plsc.parallel_loop(0, SUPER, unroll=4)
                    def step(s):
                        off = 80 * s
                        shift = 64 * s
                        for i in range(5):
                            v = plsc.load_gather(
                                in_bufs[b], [chans[ch], bases[i] + shift]
                            )
                            out_bufs[b][ch, pl.ds(off + 16 * i, 16)] = v

                out_copy(m, b).start()

                @pl.when(g + 1 < N_FULL // 2)
                def _():
                    in_copy(m + 2, b).start()

            return carry

        lax.fori_loop(0, N_FULL // 2, outer, 0)
        out_copy(N_FULL - 2, 0).wait()
        out_copy(N_FULL - 1, 1).wait()
        tail_out.wait()

    return k(x)


def kernel(x):
    return _resample(x)[..., :T_OUT]

# --- scband reference (transcript-rebuilt; emitter-appended) ---
"""Pipeline reference for scband-resample-nearest-13872744366518 (READ-ONLY COPY).

The authoritative reference and input builder live on the scoring server;
editing this copy changes nothing except your own understanding.
"""

import jax, jax.numpy as jnp
import numpy as np

RATE = 1.25  # rates=(1.25,1.25) -> deterministic rate
DIM = -1


def _nearest_indexes(length: int, rate: float) -> np.ndarray:
    step = 1.0 / rate
    idx = np.arange(0.0, length, step, dtype=np.float64)
    idx = np.round(idx).astype(np.int32)
    idx = np.clip(idx, None, length - 1)
    return idx


def setup_inputs(seed: int = 0) -> dict:
    key = jax.random.key(seed)
    x = jax.random.normal(key, (32, 2, 480000), dtype=jnp.float32)
    return {"x": x}


def reference(x):
    # p=1.0 -> floor_p=1, apply_transform exactly once; rest=0 so no stochastic branch.
    length = x.shape[DIM]
    indexes = jnp.asarray(_nearest_indexes(length, RATE))
    out = jnp.take(x, indexes, axis=DIM)
    return out

if __name__ == "__main__":
    import jax
    _d = setup_inputs()
    print(jax.jit(kernel)(*tuple(_d.values())))

</pallas_src>

<mosaic_0001>
#map = affine_map<(d0, d1) -> (0, 0, 0)>
module attributes {stable_mosaic.version = 14 : i64} {
  func.func @k(%arg0: i32, %arg1: i32, %arg2: memref<32x2x480000xf32, #tpu.memory_space<hbm>>, %arg3: memref<32x2x600064xf32, #tpu.memory_space<hbm>>, %arg4: memref<2x13312xf32, #tpu.memory_space<vmem>>, %arg5: memref<2x13312xf32, #tpu.memory_space<vmem>>, %arg6: memref<2x16640xf32, #tpu.memory_space<vmem>>, %arg7: memref<2x16640xf32, #tpu.memory_space<vmem>>, %arg8: memref<2x768xf32, #tpu.memory_space<vmem>>, %arg9: memref<2x1024xf32, #tpu.memory_space<vmem>>, %arg10: memref<2x!tpu.dma_semaphore, #tpu.memory_space<semaphore_mem>>, %arg11: memref<2x!tpu.dma_semaphore, #tpu.memory_space<semaphore_mem>>, %arg12: memref<!tpu.dma_semaphore, #tpu.memory_space<semaphore_mem>>, %arg13: memref<!tpu.dma_semaphore, #tpu.memory_space<semaphore_mem>>) attributes {dimension_semantics = [#tpu.dimension_semantics<core_parallel>, #tpu.dimension_semantics<subcore_parallel>], iteration_bounds = array<i64: 2, 16>, scalar_prefetch = 0 : i64, scratch_operands = 10 : i64, tpu.core_type = #tpu.core_type<sc_vector_subcore>, window_params = [{transform_indices = #map}, {transform_indices = #map}]} {
    %mul3A = arith.constant 2 : i32
    %mul3A_0 = arith.muli %arg1, %mul3A : i32
    %add3A = arith.addi %mul3A_0, %arg0 : i32
    %iota3A = tpu.iota {dimensions = array<i32: 0>} : vector<16xi32>
    %add3A_1 = arith.constant 0 : i32
    %add3A_2 = vector.broadcast %add3A_1 : i32 to vector<16xi32>
    %add3A_3 = arith.addi %add3A_2, %iota3A : vector<16xi32>
    %mul3A_4 = arith.constant 4 : i32
    %mul3A_5 = vector.broadcast %mul3A_4 : i32 to vector<16xi32>
    %mul3A_6 = arith.muli %mul3A_5, %add3A_3 : vector<16xi32>
    %add3A_7 = arith.constant 2 : i32
    %add3A_8 = vector.broadcast %add3A_7 : i32 to vector<16xi32>
    %add3A_9 = arith.addi %mul3A_6, %add3A_8 : vector<16xi32>
    %div3A = arith.constant 5 : i32
    %div3A_10 = vector.broadcast %div3A : i32 to vector<16xi32>
    %div3A_11 = arith.divsi %add3A_9, %div3A_10 : vector<16xi32>
    %add3A_12 = arith.constant 16 : i32
    %add3A_13 = vector.broadcast %add3A_12 : i32 to vector<16xi32>
    %add3A_14 = arith.addi %add3A_13, %iota3A : vector<16xi32>
    %mul3A_15 = arith.constant 4 : i32
    %mul3A_16 = vector.broadcast %mul3A_15 : i32 to vector<16xi32>
    %mul3A_17 = arith.muli %mul3A_16, %add3A_14 : vector<16xi32>
    %add3A_18 = arith.constant 2 : i32
    %add3A_19 = vector.broadcast %add3A_18 : i32 to vector<16xi32>
    %add3A_20 = arith.addi %mul3A_17, %add3A_19 : vector<16xi32>
    %div3A_21 = arith.constant 5 : i32
    %div3A_22 = vector.broadcast %div3A_21 : i32 to vector<16xi32>
    %div3A_23 = arith.divsi %add3A_20, %div3A_22 : vector<16xi32>
    %add3A_24 = arith.constant 32 : i32
    %add3A_25 = vector.broadcast %add3A_24 : i32 to vector<16xi32>
    %add3A_26 = arith.addi %add3A_25, %iota3A : vector<16xi32>
    %mul3A_27 = arith.constant 4 : i32
    %mul3A_28 = vector.broadcast %mul3A_27 : i32 to vector<16xi32>
    %mul3A_29 = arith.muli %mul3A_28, %add3A_26 : vector<16xi32>
    %add3A_30 = arith.constant 2 : i32
    %add3A_31 = vector.broadcast %add3A_30 : i32 to vector<16xi32>
    %add3A_32 = arith.addi %mul3A_29, %add3A_31 : vector<16xi32>
    %div3A_33 = arith.constant 5 : i32
    %div3A_34 = vector.broadcast %div3A_33 : i32 to vector<16xi32>
    %div3A_35 = arith.divsi %add3A_32, %div3A_34 : vector<16xi32>
    %add3A_36 = arith.constant 48 : i32
    %add3A_37 = vector.broadcast %add3A_36 : i32 to vector<16xi32>
    %add3A_38 = arith.addi %add3A_37, %iota3A : vector<16xi32>
    %mul3A_39 = arith.constant 4 : i32
    %mul3A_40 = vector.broadcast %mul3A_39 : i32 to vector<16xi32>
    %mul3A_41 = arith.muli %mul3A_40, %add3A_38 : vector<16xi32>
    %add3A_42 = arith.constant 2 : i32
    %add3A_43 = vector.broadcast %add3A_42 : i32 to vector<16xi32>
    %add3A_44 = arith.addi %mul3A_41, %add3A_43 : vector<16xi32>
    %div3A_45 = arith.constant 5 : i32
    %div3A_46 = vector.broadcast %div3A_45 : i32 to vector<16xi32>
    %div3A_47 = arith.divsi %add3A_44, %div3A_46 : vector<16xi32>
    %add3A_48 = arith.constant 64 : i32
    %add3A_49 = vector.broadcast %add3A_48 : i32 to vector<16xi32>
    %add3A_50 = arith.addi %add3A_49, %iota3A : vector<16xi32>
    %mul3A_51 = arith.constant 4 : i32
    %mul3A_52 = vector.broadcast %mul3A_51 : i32 to vector<16xi32>
    %mul3A_53 = arith.muli %mul3A_52, %add3A_50 : vector<16xi32>
    %add3A_54 = arith.constant 2 : i32
    %add3A_55 = vector.broadcast %add3A_54 : i32 to vector<16xi32>
    %add3A_56 = arith.addi %mul3A_53, %add3A_55 : vector<16xi32>
    %div3A_57 = arith.constant 5 : i32
    %div3A_58 = vector.broadcast %div3A_57 : i32 to vector<16xi32>
    %div3A_59 = arith.divsi %add3A_56, %div3A_58 : vector<16xi32>
    %broadcast_in_dim3A = arith.constant 0 : i32
    %broadcast_in_dim3A_60 = vector.broadcast %broadcast_in_dim3A : i32 to vector<16xi32>
    %broadcast_in_dim3A_61 = arith.constant 1 : i32
    %broadcast_in_dim3A_62 = vector.broadcast %broadcast_in_dim3A_61 : i32 to vector<16xi32>
    %dma_start3A = arith.constant 0 : i32
    %dma_start3A_63 = arith.constant 479232 : i32
    %dma_start3A_64 = tpu.memref_slice %arg2[%add3A, %dma_start3A, %dma_start3A_63] : memref<32x2x480000xf32, #tpu.memory_space<hbm>> -> memref<1x2x768xf32, #tpu.memory_space<hbm>>
    %dma_start3A_65 = tpu.memref_squeeze %dma_start3A_64 : memref<1x2x768xf32, #tpu.memory_space<hbm>> -> memref<2x768xf32, #tpu.memory_space<hbm>>
    %dma_start3A_66 = arith.constant 0 : i32
    %dma_start3A_67 = arith.constant 479232 : i32
    %dma_start3A_68 = tpu.memref_slice %arg2[%add3A, %dma_start3A_66, %dma_start3A_67] : memref<32x2x480000xf32, #tpu.memory_space<hbm>> -> memref<1x2x768xf32, #tpu.memory_space<hbm>>
    %dma_start3A_69 = tpu.memref_squeeze %dma_start3A_68 : memref<1x2x768xf32, #tpu.memory_space<hbm>> -> memref<2x768xf32, #tpu.memory_space<hbm>>
    tpu.enqueue_dma source(%dma_start3A_69 : memref<2x768xf32, #tpu.memory_space<hbm>>) target(%arg8 : memref<2x768xf32, #tpu.memory_space<vmem>>) target_semaphore(%arg12 : memref<!tpu.dma_semaphore, #tpu.memory_space<semaphore_mem>>)
    %dma_start3A_70 = arith.constant 0 : i32
    %dma_start3A_71 = arith.constant 0 : i32
    %dma_start3A_72 = arith.constant 0 : i32
    %dma_start3A_73 = tpu.memref_slice %arg2[%add3A, %dma_start3A_71, %dma_start3A_72] : memref<32x2x480000xf32, #tpu.memory_space<hbm>> -> memref<1x2x13312xf32, #tpu.memory_space<hbm>>
    %dma_start3A_74 = tpu.memref_squeeze %dma_start3A_73 : memref<1x2x13312xf32, #tpu.memory_space<hbm>> -> memref<2x13312xf32, #tpu.memory_space<hbm>>
    %dma_start3A_75 = tpu.memref_slice %arg10[%dma_start3A_70] : memref<2x!tpu.dma_semaphore, #tpu.memory_space<semaphore_mem>> -> memref<1x!tpu.dma_semaphore, #tpu.memory_space<semaphore_mem>>
    %dma_start3A_76 = tpu.memref_squeeze %dma_start3A_75 : memref<1x!tpu.dma_semaphore, #tpu.memory_space<semaphore_mem>> -> memref<!tpu.dma_semaphore, #tpu.memory_space<semaphore_mem>>
    %dma_start3A_77 = arith.constant 0 : i32
    %dma_start3A_78 = arith.constant 0 : i32
    %dma_start3A_79 = tpu.memref_slice %arg2[%add3A, %dma_start3A_77, %dma_start3A_78] : memref<32x2x480000xf32, #tpu.memory_space<hbm>> -> memref<1x2x13312xf32, #tpu.memory_space<hbm>>
    %dma_start3A_80 = tpu.memref_squeeze %dma_start3A_79 : memref<1x2x13312xf32, #tpu.memory_space<hbm>> -> memref<2x13312xf32, #tpu.memory_space<hbm>>
    tpu.enqueue_dma source(%dma_start3A_80 : memref<2x13312xf32, #tpu.memory_space<hbm>>) target(%arg4 : memref<2x13312xf32, #tpu.memory_space<vmem>>) target_semaphore(%dma_start3A_76 : memref<!tpu.dma_semaphore, #tpu.memory_space<semaphore_mem>>)
    %dma_start3A_81 = arith.constant 1 : i32
    %dma_start3A_82 = arith.constant 0 : i32
    %dma_start3A_83 = arith.constant 13312 : i32
    %dma_start3A_84 = tpu.memref_slice %arg2[%add3A, %dma_start3A_82, %dma_start3A_83] : memref<32x2x480000xf32, #tpu.memory_space<hbm>> -> memref<1x2x13312xf32, #tpu.memory_space<hbm>>
    %dma_start3A_85 = tpu.memref_squeeze %dma_start3A_84 : memref<1x2x13312xf32, #tpu.memory_space<hbm>> -> memref<2x13312xf32, #tpu.memory_space<hbm>>
    %dma_start3A_86 = tpu.memref_slice %arg10[%dma_start3A_81] : memref<2x!tpu.dma_semaphore, #tpu.memory_space<semaphore_mem>> -> memref<1x!tpu.dma_semaphore, #tpu.memory_space<semaphore_mem>>
    %dma_start3A_87 = tpu.memref_squeeze %dma_start3A_86 : memref<1x!tpu.dma_semaphore, #tpu.memory_space<semaphore_mem>> -> memref<!tpu.dma_semaphore, #tpu.memory_space<semaphore_mem>>
    %dma_start3A_88 = arith.constant 0 : i32
    %dma_start3A_89 = arith.constant 13312 : i32
    %dma_start3A_90 = tpu.memref_slice %arg2[%add3A, %dma_start3A_88, %dma_start3A_89] : memref<32x2x480000xf32, #tpu.memory_space<hbm>> -> memref<1x2x13312xf32, #tpu.memory_space<hbm>>
    %dma_start3A_91 = tpu.memref_squeeze %dma_start3A_90 : memref<1x2x13312xf32, #tpu.memory_space<hbm>> -> memref<2x13312xf32, #tpu.memory_space<hbm>>
    tpu.enqueue_dma source(%dma_start3A_91 : memref<2x13312xf32, #tpu.memory_space<hbm>>) target(%arg5 : memref<2x13312xf32, #tpu.memory_space<vmem>>) target_semaphore(%dma_start3A_87 : memref<!tpu.dma_semaphore, #tpu.memory_space<semaphore_mem>>)
    %dma_wait3A = arith.constant 0 : i32
    %dma_wait3A_92 = arith.constant 479232 : i32
    %dma_wait3A_93 = tpu.memref_slice %arg2[%add3A, %dma_wait3A, %dma_wait3A_92] : memref<32x2x480000xf32, #tpu.memory_space<hbm>> -> memref<1x2x768xf32, #tpu.memory_space<hbm>>
    %dma_wait3A_94 = tpu.memref_squeeze %dma_wait3A_93 : memref<1x2x768xf32, #tpu.memory_space<hbm>> -> memref<2x768xf32, #tpu.memory_space<hbm>>
    %dma_wait3A_95 = arith.constant 0 : i32
    %dma_wait3A_96 = arith.constant 479232 : i32
    %dma_wait3A_97 = tpu.memref_slice %arg2[%add3A, %dma_wait3A_95, %dma_wait3A_96] : memref<32x2x480000xf32, #tpu.memory_space<hbm>> -> memref<1x2x768xf32, #tpu.memory_space<hbm>>
    %dma_wait3A_98 = tpu.memref_squeeze %dma_wait3A_97 : memref<1x2x768xf32, #tpu.memory_space<hbm>> -> memref<2x768xf32, #tpu.memory_space<hbm>>
    tpu.wait_dma2 semaphore(%arg12 : memref<!tpu.dma_semaphore, #tpu.memory_space<semaphore_mem>>) src(%dma_wait3A_98 : memref<2x768xf32, #tpu.memory_space<hbm>>) dst(%arg8 : memref<2x768xf32, #tpu.memory_space<vmem>>)
    %parallel_loop3A = arith.constant 0 : i32
    %parallel_loop3A_99 = arith.constant 64 : i32
    %parallel_loop3A_100 = arith.constant 1 : i32
    scf.for %parallel_loop3A_147 = %parallel_loop3A to %parallel_loop3A_99 step %parallel_loop3A_100  : i32 {
      %parallel_loop3A_148 = arith.constant 16 : i32
      %parallel_loop3A_149 = arith.muli %parallel_loop3A_148, %parallel_loop3A_147 : i32
      %parallel_loop3A_150 = vector.broadcast %parallel_loop3A_149 : i32 to vector<16xi32>
      %parallel_loop3A_151 = arith.addi %parallel_loop3A_150, %iota3A : vector<16xi32>
      %parallel_loop3A_152 = arith.constant 4 : i32
      %parallel_loop3A_153 = vector.broadcast %parallel_loop3A_152 : i32 to vector<16xi32>
      %parallel_loop3A_154 = arith.muli %parallel_loop3A_153, %parallel_loop3A_151 : vector<16xi32>
      %parallel_loop3A_155 = arith.constant 2 : i32
      %parallel_loop3A_156 = vector.broadcast %parallel_loop3A_155 : i32 to vector<16xi32>
      %parallel_loop3A_157 = arith.addi %parallel_loop3A_154, %parallel_loop3A_156 : vector<16xi32>
      %parallel_loop3A_158 = arith.constant 5 : i32
      %parallel_loop3A_159 = vector.broadcast %parallel_loop3A_158 : i32 to vector<16xi32>
      %parallel_loop3A_160 = arith.divsi %parallel_loop3A_157, %parallel_loop3A_159 : vector<16xi32>
      %parallel_loop3A_161 = arith.constant 767 : i32
      %parallel_loop3A_162 = vector.broadcast %parallel_loop3A_161 : i32 to vector<16xi32>
      %parallel_loop3A_163 = arith.minsi %parallel_loop3A_160, %parallel_loop3A_162 : vector<16xi32>
      %parallel_loop3A_164 = tpu.vector_load_idx %arg8[%broadcast_in_dim3A_60, %parallel_loop3A_163] : memref<2x768xf32, #tpu.memory_space<vmem>>[vector<16xi32>, vector<16xi32>], vector<16xf32>,
      %parallel_loop3A_165 = arith.constant 16 : i32
      %parallel_loop3A_166 = arith.muli %parallel_loop3A_165, %parallel_loop3A_147 : i32
      %parallel_loop3A_167 = arith.constant 0 : i32
      %parallel_loop3A_168 = arith.index_cast %parallel_loop3A_167 : i32 to index
      %parallel_loop3A_169 = arith.index_cast %parallel_loop3A_166 : i32 to index
      %parallel_loop3A_170 = tpu.vector_load %arg9[%parallel_loop3A_168, %parallel_loop3A_169] {strides = array<i32>} : memref<2x1024xf32, #tpu.memory_space<vmem>>, vector<16xf32>,
      tpu.vector_store %arg9[%parallel_loop3A_168, %parallel_loop3A_169], %parallel_loop3A_164 {strides = array<i32>} : memref<2x1024xf32, #tpu.memory_space<vmem>>, vector<16xf32>,
    } {sc.loop_unroll_factor = 4 : i64, sc.parallel_access}
    %parallel_loop3A_101 = arith.constant 0 : i32
    %parallel_loop3A_102 = arith.constant 64 : i32
    %parallel_loop3A_103 = arith.constant 1 : i32
    scf.for %parallel_loop3A_147 = %parallel_loop3A_101 to %parallel_loop3A_102 step %parallel_loop3A_103  : i32 {
      %parallel_loop3A_148 = arith.constant 16 : i32
      %parallel_loop3A_149 = arith.muli %parallel_loop3A_148, %parallel_loop3A_147 : i32
      %parallel_loop3A_150 = vector.broadcast %parallel_loop3A_149 : i32 to vector<16xi32>
      %parallel_loop3A_151 = arith.addi %parallel_loop3A_150, %iota3A : vector<16xi32>
      %parallel_loop3A_152 = arith.constant 4 : i32
      %parallel_loop3A_153 = vector.broadcast %parallel_loop3A_152 : i32 to vector<16xi32>
      %parallel_loop3A_154 = arith.muli %parallel_loop3A_153, %parallel_loop3A_151 : vector<16xi32>
      %parallel_loop3A_155 = arith.constant 2 : i32
      %parallel_loop3A_156 = vector.broadcast %parallel_loop3A_155 : i32 to vector<16xi32>
      %parallel_loop3A_157 = arith.addi %parallel_loop3A_154, %parallel_loop3A_156 : vector<16xi32>
      %parallel_loop3A_158 = arith.constant 5 : i32
      %parallel_loop3A_159 = vector.broadcast %parallel_loop3A_158 : i32 to vector<16xi32>
      %parallel_loop3A_160 = arith.divsi %parallel_loop3A_157, %parallel_loop3A_159 : vector<16xi32>
      %parallel_loop3A_161 = arith.constant 767 : i32
      %parallel_loop3A_162 = vector.broadcast %parallel_loop3A_161 : i32 to vector<16xi32>
      %parallel_loop3A_163 = arith.minsi %parallel_loop3A_160, %parallel_loop3A_162 : vector<16xi32>
      %parallel_loop3A_164 = tpu.vector_load_idx %arg8[%broadcast_in_dim3A_62, %parallel_loop3A_163] : memref<2x768xf32, #tpu.memory_space<vmem>>[vector<16xi32>, vector<16xi32>], vector<16xf32>,
      %parallel_loop3A_165 = arith.constant 16 : i32
      %parallel_loop3A_166 = arith.muli %parallel_loop3A_165, %parallel_loop3A_147 : i32
      %parallel_loop3A_167 = arith.constant 1 : i32
      %parallel_loop3A_168 = arith.index_cast %parallel_loop3A_167 : i32 to index
      %parallel_loop3A_169 = arith.index_cast %parallel_loop3A_166 : i32 to index
      %parallel_loop3A_170 = tpu.vector_load %arg9[%parallel_loop3A_168, %parallel_loop3A_169] {strides = array<i32>} : memref<2x1024xf32, #tpu.memory_space<vmem>>, vector<16xf32>,
      tpu.vector_store %arg9[%parallel_loop3A_168, %parallel_loop3A_169], %parallel_loop3A_164 {strides = array<i32>} : memref<2x1024xf32, #tpu.memory_space<vmem>>, vector<16xf32>,
    } {sc.loop_unroll_factor = 4 : i64, sc.parallel_access}
    %dma_start3A_104 = arith.constant 0 : i32
    %dma_start3A_105 = arith.constant 599040 : i32
    %dma_start3A_106 = tpu.memref_slice %arg3[%add3A, %dma_start3A_104, %dma_start3A_105] : memref<32x2x600064xf32, #tpu.memory_space<hbm>> -> memref<1x2x1024xf32, #tpu.memory_space<hbm>>
    %dma_start3A_107 = tpu.memref_squeeze %dma_start3A_106 : memref<1x2x1024xf32, #tpu.memory_space<hbm>> -> memref<2x1024xf32, #tpu.memory_space<hbm>>
    %dma_start3A_108 = arith.constant 0 : i32
    %dma_start3A_109 = arith.constant 599040 : i32
    %dma_start3A_110 = tpu.memref_slice %arg3[%add3A, %dma_start3A_108, %dma_start3A_109] : memref<32x2x600064xf32, #tpu.memory_space<hbm>> -> memref<1x2x1024xf32, #tpu.memory_space<hbm>>
    %dma_start3A_111 = tpu.memref_squeeze %dma_start3A_110 : memref<1x2x1024xf32, #tpu.memory_space<hbm>> -> memref<2x1024xf32, #tpu.memory_space<hbm>>
    tpu.enqueue_dma source(%arg9 : memref<2x1024xf32, #tpu.memory_space<vmem>>) target(%dma_start3A_111 : memref<2x1024xf32, #tpu.memory_space<hbm>>) target_semaphore(%arg13 : memref<!tpu.dma_semaphore, #tpu.memory_space<semaphore_mem>>)
    %scan3A = arith.constant 0 : i32
    %scan3A_112 = arith.constant 0 : i32
    %scan3A_113 = arith.constant 18 : i32
    %scan3A_114 = arith.addi %scan3A_112, %scan3A_113 : i32
    %scan3A_115 = arith.constant 1 : i32
    scf.for %scan3A_147 = %scan3A_112 to %scan3A_114 step %scan3A_115  : i32 {
      %mul3A_148 = arith.constant 2 : i32
      %mul3A_149 = arith.muli %mul3A_148, %scan3A_147 : i32
      %add3A_150 = arith.constant 0 : i32
      %add3A_151 = arith.addi %mul3A_149, %add3A_150 : i32
      %mul3A_152 = arith.constant 13312 : i32
      %mul3A_153 = arith.muli %add3A_151, %mul3A_152 : i32
      %dma_wait3A_154 = arith.constant 0 : i32
      %dma_wait3A_155 = arith.constant 0 : i32
      %dma_wait3A_156 = tpu.memref_slice %arg2[%add3A, %dma_wait3A_155, %mul3A_153] : memref<32x2x480000xf32, #tpu.memory_space<hbm>> -> memref<1x2x13312xf32, #tpu.memory_space<hbm>>
      %dma_wait3A_157 = tpu.memref_squeeze %dma_wait3A_156 : memref<1x2x13312xf32, #tpu.memory_space<hbm>> -> memref<2x13312xf32, #tpu.memory_space<hbm>>
      %dma_wait3A_158 = tpu.memref_slice %arg10[%dma_wait3A_154] : memref<2x!tpu.dma_semaphore, #tpu.memory_space<semaphore_mem>> -> memref<1x!tpu.dma_semaphore, #tpu.memory_space<semaphore_mem>>
      %dma_wait3A_159 = tpu.memref_squeeze %dma_wait3A_158 : memref<1x!tpu.dma_semaphore, #tpu.memory_space<semaphore_mem>> -> memref<!tpu.dma_semaphore, #tpu.memory_space<semaphore_mem>>
      %dma_wait3A_160 = arith.constant 0 : i32
      %dma_wait3A_161 = tpu.memref_slice %arg2[%add3A, %dma_wait3A_160, %mul3A_153] : memref<32x2x480000xf32, #tpu.memory_space<hbm>> -> memref<1x2x13312xf32, #tpu.memory_space<hbm>>
      %dma_wait3A_162 = tpu.memref_squeeze %dma_wait3A_161 : memref<1x2x13312xf32, #tpu.memory_space<hbm>> -> memref<2x13312xf32, #tpu.memory_space<hbm>>
      tpu.wait_dma2 semaphore(%dma_wait3A_159 : memref<!tpu.dma_semaphore, #tpu.memory_space<semaphore_mem>>) src(%dma_wait3A_162 : memref<2x13312xf32, #tpu.memory_space<hbm>>) dst(%arg4 : memref<2x13312xf32, #tpu.memory_space<vmem>>)
      %ge3A = arith.constant 1 : i32
      %ge3A_163 = arith.cmpi sge, %scan3A_147, %ge3A : i32
      %convert_element_type3A = arith.extui %ge3A_163 : i1 to i32
      %cond3A = arith.constant 0 : i32
      %cond3A_164 = arith.cmpi ne, %convert_element_type3A, %cond3A : i32
      scf.if %cond3A_164 {
        %sub3A = arith.constant 2 : i32
        %sub3A_232 = arith.subi %add3A_151, %sub3A : i32
        %mul3A_233 = arith.constant 16640 : i32
        %mul3A_234 = arith.muli %sub3A_232, %mul3A_233 : i32
        %dma_wait3A_235 = arith.constant 0 : i32
        %dma_wait3A_236 = arith.constant 0 : i32
        %dma_wait3A_237 = tpu.memref_slice %arg3[%add3A, %dma_wait3A_236, %mul3A_234] : memref<32x2x600064xf32, #tpu.memory_space<hbm>> -> memref<1x2x16640xf32, #tpu.memory_space<hbm>>
        %dma_wait3A_238 = tpu.memref_squeeze %dma_wait3A_237 : memref<1x2x16640xf32, #tpu.memory_space<hbm>> -> memref<2x16640xf32, #tpu.memory_space<hbm>>
        %dma_wait3A_239 = tpu.memref_slice %arg11[%dma_wait3A_235] : memref<2x!tpu.dma_semaphore, #tpu.memory_space<semaphore_mem>> -> memref<1x!tpu.dma_semaphore, #tpu.memory_space<semaphore_mem>>
        %dma_wait3A_240 = tpu.memref_squeeze %dma_wait3A_239 : memref<1x!tpu.dma_semaphore, #tpu.memory_space<semaphore_mem>> -> memref<!tpu.dma_semaphore, #tpu.memory_space<semaphore_mem>>
        %dma_wait3A_241 = arith.constant 0 : i32
        %dma_wait3A_242 = tpu.memref_slice %arg3[%add3A, %dma_wait3A_241, %mul3A_234] : memref<32x2x600064xf32, #tpu.memory_space<hbm>> -> memref<1x2x16640xf32, #tpu.memory_space<hbm>>
        %dma_wait3A_243 = tpu.memref_squeeze %dma_wait3A_242 : memref<1x2x16640xf32, #tpu.memory_space<hbm>> -> memref<2x16640xf32, #tpu.memory_space<hbm>>
        tpu.wait_dma2 semaphore(%dma_wait3A_240 : memref<!tpu.dma_semaphore, #tpu.memory_space<semaphore_mem>>) src(%arg6 : memref<2x16640xf32, #tpu.memory_space<vmem>>) dst(%dma_wait3A_243 : memref<2x16640xf32, #tpu.memory_space<hbm>>)
      } else {
      }
      %parallel_loop3A_165 = arith.constant 0 : i32
      %parallel_loop3A_166 = arith.constant 208 : i32
      %parallel_loop3A_167 = arith.constant 1 : i32
      scf.for %parallel_loop3A_232 = %parallel_loop3A_165 to %parallel_loop3A_166 step %parallel_loop3A_167  : i32 {
        %parallel_loop3A_233 = arith.constant 80 : i32
        %parallel_loop3A_234 = arith.muli %parallel_loop3A_233, %parallel_loop3A_232 : i32
        %parallel_loop3A_235 = arith.constant 64 : i32
        %parallel_loop3A_236 = arith.muli %parallel_loop3A_235, %parallel_loop3A_232 : i32
        %parallel_loop3A_237 = vector.broadcast %parallel_loop3A_236 : i32 to vector<16xi32>
        %parallel_loop3A_238 = arith.addi %div3A_11, %parallel_loop3A_237 : vector<16xi32>
        %parallel_loop3A_239 = tpu.vector_load_idx %arg4[%broadcast_in_dim3A_60, %parallel_loop3A_238] : memref<2x13312xf32, #tpu.memory_space<vmem>>[vector<16xi32>, vector<16xi32>], vector<16xf32>,
        %parallel_loop3A_240 = arith.constant 0 : i32
        %parallel_loop3A_241 = arith.addi %parallel_loop3A_234, %parallel_loop3A_240 : i32
        %parallel_loop3A_242 = arith.constant 0 : i32
        %parallel_loop3A_243 = arith.index_cast %parallel_loop3A_242 : i32 to index
        %parallel_loop3A_244 = arith.index_cast %parallel_loop3A_241 : i32 to index
        %parallel_loop3A_245 = tpu.vector_load %arg6[%parallel_loop3A_243, %parallel_loop3A_244] {strides = array<i32>} : memref<2x16640xf32, #tpu.memory_space<vmem>>, vector<16xf32>,
        tpu.vector_store %arg6[%parallel_loop3A_243, %parallel_loop3A_244], %parallel_loop3A_239 {strides = array<i32>} : memref<2x16640xf32, #tpu.memory_space<vmem>>, vector<16xf32>,
        %parallel_loop3A_246 = vector.broadcast %parallel_loop3A_236 : i32 to vector<16xi32>
        %parallel_loop3A_247 = arith.addi %div3A_23, %parallel_loop3A_246 : vector<16xi32>
        %parallel_loop3A_248 = tpu.vector_load_idx %arg4[%broadcast_in_dim3A_60, %parallel_loop3A_247] : memref<2x13312xf32, #tpu.memory_space<vmem>>[vector<16xi32>, vector<16xi32>], vector<16xf32>,
        %parallel_loop3A_249 = arith.constant 16 : i32
        %parallel_loop3A_250 = arith.addi %parallel_loop3A_234, %parallel_loop3A_249 : i32
        %parallel_loop3A_251 = arith.constant 0 : i32
        %parallel_loop3A_252 = arith.index_cast %parallel_loop3A_251 : i32 to index
        %parallel_loop3A_253 = arith.index_cast %parallel_loop3A_250 : i32 to index
        %parallel_loop3A_254 = tpu.vector_load %arg6[%parallel_loop3A_252, %parallel_loop3A_253] {strides = array<i32>} : memref<2x16640xf32, #tpu.memory_space<vmem>>, vector<16xf32>,
        tpu.vector_store %arg6[%parallel_loop3A_252, %parallel_loop3A_253], %parallel_loop3A_248 {strides = array<i32>} : memref<2x16640xf32, #tpu.memory_space<vmem>>, vector<16xf32>,
        %parallel_loop3A_255 = vector.broadcast %parallel_loop3A_236 : i32 to vector<16xi32>
        %parallel_loop3A_256 = arith.addi %div3A_35, %parallel_loop3A_255 : vector<16xi32>
        %parallel_loop3A_257 = tpu.vector_load_idx %arg4[%broadcast_in_dim3A_60, %parallel_loop3A_256] : memref<2x13312xf32, #tpu.memory_space<vmem>>[vector<16xi32>, vector<16xi32>], vector<16xf32>,
        %parallel_loop3A_258 = arith.constant 32 : i32
        %parallel_loop3A_259 = arith.addi %parallel_loop3A_234, %parallel_loop3A_258 : i32
        %parallel_loop3A_260 = arith.constant 0 : i32
        %parallel_loop3A_261 = arith.index_cast %parallel_loop3A_260 : i32 to index
        %parallel_loop3A_262 = arith.index_cast %parallel_loop3A_259 : i32 to index
        %parallel_loop3A_263 = tpu.vector_load %arg6[%parallel_loop3A_261, %parallel_loop3A_262] {strides = array<i32>} : memref<2x16640xf32, #tpu.memory_space<vmem>>, vector<16xf32>,
        tpu.vector_store %arg6[%parallel_loop3A_261, %parallel_loop3A_262], %parallel_loop3A_257 {strides = array<i32>} : memref<2x16640xf32, #tpu.memory_space<vmem>>, vector<16xf32>,
        %parallel_loop3A_264 = vector.broadcast %parallel_loop3A_236 : i32 to vector<16xi32>
        %parallel_loop3A_265 = arith.addi %div3A_47, %parallel_loop3A_264 : vector<16xi32>
        %parallel_loop3A_266 = tpu.vector_load_idx %arg4[%broadcast_in_dim3A_60, %parallel_loop3A_265] : memref<2x13312xf32, #tpu.memory_space<vmem>>[vector<16xi32>, vector<16xi32>], vector<16xf32>,
        %parallel_loop3A_267 = arith.constant 48 : i32
        %parallel_loop3A_268 = arith.addi %parallel_loop3A_234, %parallel_loop3A_267 : i32
        %parallel_loop3A_269 = arith.constant 0 : i32
        %parallel_loop3A_270 = arith.index_cast %parallel_loop3A_269 : i32 to index
        %parallel_loop3A_271 = arith.index_cast %parallel_loop3A_268 : i32 to index
        %parallel_loop3A_272 = tpu.vector_load %arg6[%parallel_loop3A_270, %parallel_loop3A_271] {strides = array<i32>} : memref<2x16640xf32, #tpu.memory_space<vmem>>, vector<16xf32>,
        tpu.vector_store %arg6[%parallel_loop3A_270, %parallel_loop3A_271], %parallel_loop3A_266 {strides = array<i32>} : memref<2x16640xf32, #tpu.memory_space<vmem>>, vector<16xf32>,
        %parallel_loop3A_273 = vector.broadcast %parallel_loop3A_236 : i32 to vector<16xi32>
        %parallel_loop3A_274 = arith.addi %div3A_59, %parallel_loop3A_273 : vector<16xi32>
        %parallel_loop3A_275 = tpu.vector_load_idx %arg4[%broadcast_in_dim3A_60, %parallel_loop3A_274] : memref<2x13312xf32, #tpu.memory_space<vmem>>[vector<16xi32>, vector<16xi32>], vector<16xf32>,
        %parallel_loop3A_276 = arith.constant 64 : i32
        %parallel_loop3A_277 = arith.addi %parallel_loop3A_234, %parallel_loop3A_276 : i32
        %parallel_loop3A_278 = arith.constant 0 : i32
        %parallel_loop3A_279 = arith.index_cast %parallel_loop3A_278 : i32 to index
        %parallel_loop3A_280 = arith.index_cast %parallel_loop3A_277 : i32 to index
        %parallel_loop3A_281 = tpu.vector_load %arg6[%parallel_loop3A_279, %parallel_loop3A_280] {strides = array<i32>} : memref<2x16640xf32, #tpu.memory_space<vmem>>, vector<16xf32>,
        tpu.vector_store %arg6[%parallel_loop3A_279, %parallel_loop3A_280], %parallel_loop3A_275 {strides = array<i32>} : memref<2x16640xf32, #tpu.memory_space<vmem>>, vector<16xf32>,
      } {sc.loop_unroll_factor = 4 : i64, sc.parallel_access}
      %parallel_loop3A_168 = arith.constant 0 : i32
      %parallel_loop3A_169 = arith.constant 208 : i32
      %parallel_loop3A_170 = arith.constant 1 : i32
      scf.for %parallel_loop3A_232 = %parallel_loop3A_168 to %parallel_loop3A_169 step %parallel_loop3A_170  : i32 {
        %parallel_loop3A_233 = arith.constant 80 : i32
        %parallel_loop3A_234 = arith.muli %parallel_loop3A_233, %parallel_loop3A_232 : i32
        %parallel_loop3A_235 = arith.constant 64 : i32
        %parallel_loop3A_236 = arith.muli %parallel_loop3A_235, %parallel_loop3A_232 : i32
        %parallel_loop3A_237 = vector.broadcast %parallel_loop3A_236 : i32 to vector<16xi32>
        %parallel_loop3A_238 = arith.addi %div3A_11, %parallel_loop3A_237 : vector<16xi32>
        %parallel_loop3A_239 = tpu.vector_load_idx %arg4[%broadcast_in_dim3A_62, %parallel_loop3A_238] : memref<2x13312xf32, #tpu.memory_space<vmem>>[vector<16xi32>, vector<16xi32>], vector<16xf32>,
        %parallel_loop3A_240 = arith.constant 0 : i32
        %parallel_loop3A_241 = arith.addi %parallel_loop3A_234, %parallel_loop3A_240 : i32
        %parallel_loop3A_242 = arith.constant 1 : i32
        %parallel_loop3A_243 = arith.index_cast %parallel_loop3A_242 : i32 to index
        %parallel_loop3A_244 = arith.index_cast %parallel_loop3A_241 : i32 to index
        %parallel_loop3A_245 = tpu.vector_load %arg6[%parallel_loop3A_243, %parallel_loop3A_244] {strides = array<i32>} : memref<2x16640xf32, #tpu.memory_space<vmem>>, vector<16xf32>,
        tpu.vector_store %arg6[%parallel_loop3A_243, %parallel_loop3A_244], %parallel_loop3A_239 {strides = array<i32>} : memref<2x16640xf32, #tpu.memory_space<vmem>>, vector<16xf32>,
        %parallel_loop3A_246 = vector.broadcast %parallel_loop3A_236 : i32 to vector<16xi32>
        %parallel_loop3A_247 = arith.addi %div3A_23, %parallel_loop3A_246 : vector<16xi32>
        %parallel_loop3A_248 = tpu.vector_load_idx %arg4[%broadcast_in_dim3A_62, %parallel_loop3A_247] : memref<2x13312xf32, #tpu.memory_space<vmem>>[vector<16xi32>, vector<16xi32>], vector<16xf32>,
        %parallel_loop3A_249 = arith.constant 16 : i32
        %parallel_loop3A_250 = arith.addi %parallel_loop3A_234, %parallel_loop3A_249 : i32
        %parallel_loop3A_251 = arith.constant 1 : i32
        %parallel_loop3A_252 = arith.index_cast %parallel_loop3A_251 : i32 to index
        %parallel_loop3A_253 = arith.index_cast %parallel_loop3A_250 : i32 to index
        %parallel_loop3A_254 = tpu.vector_load %arg6[%parallel_loop3A_252, %parallel_loop3A_253] {strides = array<i32>} : memref<2x16640xf32, #tpu.memory_space<vmem>>, vector<16xf32>,
        tpu.vector_store %arg6[%parallel_loop3A_252, %parallel_loop3A_253], %parallel_loop3A_248 {strides = array<i32>} : memref<2x16640xf32, #tpu.memory_space<vmem>>, vector<16xf32>,
        %parallel_loop3A_255 = vector.broadcast %parallel_loop3A_236 : i32 to vector<16xi32>
        %parallel_loop3A_256 = arith.addi %div3A_35, %parallel_loop3A_255 : vector<16xi32>
        %parallel_loop3A_257 = tpu.vector_load_idx %arg4[%broadcast_in_dim3A_62, %parallel_loop3A_256] : memref<2x13312xf32, #tpu.memory_space<vmem>>[vector<16xi32>, vector<16xi32>], vector<16xf32>,
        %parallel_loop3A_258 = arith.constant 32 : i32
        %parallel_loop3A_259 = arith.addi %parallel_loop3A_234, %parallel_loop3A_258 : i32
        %parallel_loop3A_260 = arith.constant 1 : i32
        %parallel_loop3A_261 = arith.index_cast %parallel_loop3A_260 : i32 to index
        %parallel_loop3A_262 = arith.index_cast %parallel_loop3A_259 : i32 to index
        %parallel_loop3A_263 = tpu.vector_load %arg6[%parallel_loop3A_261, %parallel_loop3A_262] {strides = array<i32>} : memref<2x16640xf32, #tpu.memory_space<vmem>>, vector<16xf32>,
        tpu.vector_store %arg6[%parallel_loop3A_261, %parallel_loop3A_262], %parallel_loop3A_257 {strides = array<i32>} : memref<2x16640xf32, #tpu.memory_space<vmem>>, vector<16xf32>,
        %parallel_loop3A_264 = vector.broadcast %parallel_loop3A_236 : i32 to vector<16xi32>
        %parallel_loop3A_265 = arith.addi %div3A_47, %parallel_loop3A_264 : vector<16xi32>
        %parallel_loop3A_266 = tpu.vector_load_idx %arg4[%broadcast_in_dim3A_62, %parallel_loop3A_265] : memref<2x13312xf32, #tpu.memory_space<vmem>>[vector<16xi32>, vector<16xi32>], vector<16xf32>,
        %parallel_loop3A_267 = arith.constant 48 : i32
        %parallel_loop3A_268 = arith.addi %parallel_loop3A_234, %parallel_loop3A_267 : i32
        %parallel_loop3A_269 = arith.constant 1 : i32
        %parallel_loop3A_270 = arith.index_cast %parallel_loop3A_269 : i32 to index
        %parallel_loop3A_271 = arith.index_cast %parallel_loop3A_268 : i32 to index
        %parallel_loop3A_272 = tpu.vector_load %arg6[%parallel_loop3A_270, %parallel_loop3A_271] {strides = array<i32>} : memref<2x16640xf32, #tpu.memory_space<vmem>>, vector<16xf32>,
        tpu.vector_store %arg6[%parallel_loop3A_270, %parallel_loop3A_271], %parallel_loop3A_266 {strides = array<i32>} : memref<2x16640xf32, #tpu.memory_space<vmem>>, vector<16xf32>,
        %parallel_loop3A_273 = vector.broadcast %parallel_loop3A_236 : i32 to vector<16xi32>
        %parallel_loop3A_274 = arith.addi %div3A_59, %parallel_loop3A_273 : vector<16xi32>
        %parallel_loop3A_275 = tpu.vector_load_idx %arg4[%broadcast_in_dim3A_62, %parallel_loop3A_274] : memref<2x13312xf32, #tpu.memory_space<vmem>>[vector<16xi32>, vector<16xi32>], vector<16xf32>,
        %parallel_loop3A_276 = arith.constant 64 : i32
        %parallel_loop3A_277 = arith.addi %parallel_loop3A_234, %parallel_loop3A_276 : i32
        %parallel_loop3A_278 = arith.constant 1 : i32
        %parallel_loop3A_279 = arith.index_cast %parallel_loop3A_278 : i32 to index
        %parallel_loop3A_280 = arith.index_cast %parallel_loop3A_277 : i32 to index
        %parallel_loop3A_281 = tpu.vector_load %arg6[%parallel_loop3A_279, %parallel_loop3A_280] {strides = array<i32>} : memref<2x16640xf32, #tpu.memory_space<vmem>>, vector<16xf32>,
        tpu.vector_store %arg6[%parallel_loop3A_279, %parallel_loop3A_280], %parallel_loop3A_275 {strides = array<i32>} : memref<2x16640xf32, #tpu.memory_space<vmem>>, vector<16xf32>,
      } {sc.loop_unroll_factor = 4 : i64, sc.parallel_access}
      %mul3A_171 = arith.constant 16640 : i32
      %mul3A_172 = arith.muli %add3A_151, %mul3A_171 : i32
      %dma_start3A_173 = arith.constant 0 : i32
      %dma_start3A_174 = arith.constant 0 : i32
      %dma_start3A_175 = tpu.memref_slice %arg3[%add3A, %dma_start3A_174, %mul3A_172] : memref<32x2x600064xf32, #tpu.memory_space<hbm>> -> memref<1x2x16640xf32, #tpu.memory_space<hbm>>
      %dma_start3A_176 = tpu.memref_squeeze %dma_start3A_175 : memref<1x2x16640xf32, #tpu.memory_space<hbm>> -> memref<2x16640xf32, #tpu.memory_space<hbm>>
      %dma_start3A_177 = tpu.memref_slice %arg11[%dma_start3A_173] : memref<2x!tpu.dma_semaphore, #tpu.memory_space<semaphore_mem>> -> memref<1x!tpu.dma_semaphore, #tpu.memory_space<semaphore_mem>>
      %dma_start3A_178 = tpu.memref_squeeze %dma_start3A_177 : memref<1x!tpu.dma_semaphore, #tpu.memory_space<semaphore_mem>> -> memref<!tpu.dma_semaphore, #tpu.memory_space<semaphore_mem>>
      %dma_start3A_179 = arith.constant 0 : i32
      %dma_start3A_180 = tpu.memref_slice %arg3[%add3A, %dma_start3A_179, %mul3A_172] : memref<32x2x600064xf32, #tpu.memory_space<hbm>> -> memref<1x2x16640xf32, #tpu.memory_space<hbm>>
      %dma_start3A_181 = tpu.memref_squeeze %dma_start3A_180 : memref<1x2x16640xf32, #tpu.memory_space<hbm>> -> memref<2x16640xf32, #tpu.memory_space<hbm>>
      tpu.enqueue_dma source(%arg6 : memref<2x16640xf32, #tpu.memory_space<vmem>>) target(%dma_start3A_181 : memref<2x16640xf32, #tpu.memory_space<hbm>>) target_semaphore(%dma_start3A_178 : memref<!tpu.dma_semaphore, #tpu.memory_space<semaphore_mem>>)
      %add3A_182 = arith.constant 1 : i32
      %add3A_183 = arith.addi %scan3A_147, %add3A_182 : i32
      %lt3A = arith.constant 18 : i32
      %lt3A_184 = arith.cmpi slt, %add3A_183, %lt3A : i32
      %convert_element_type3A_185 = arith.extui %lt3A_184 : i1 to i32
      %cond3A_186 = arith.constant 0 : i32
      %cond3A_187 = arith.cmpi ne, %convert_element_type3A_185, %cond3A_186 : i32
      scf.if %cond3A_187 {
        %add3A_232 = arith.constant 2 : i32
        %add3A_233 = arith.addi %add3A_151, %add3A_232 : i32
        %mul3A_234 = arith.constant 13312 : i32
        %mul3A_235 = arith.muli %add3A_233, %mul3A_234 : i32
        %dma_start3A_236 = arith.constant 0 : i32
        %dma_start3A_237 = arith.constant 0 : i32
        %dma_start3A_238 = tpu.memref_slice %arg2[%add3A, %dma_start3A_237, %mul3A_235] : memref<32x2x480000xf32, #tpu.memory_space<hbm>> -> memref<1x2x13312xf32, #tpu.memory_space<hbm>>
        %dma_start3A_239 = tpu.memref_squeeze %dma_start3A_238 : memref<1x2x13312xf32, #tpu.memory_space<hbm>> -> memref<2x13312xf32, #tpu.memory_space<hbm>>
        %dma_start3A_240 = tpu.memref_slice %arg10[%dma_start3A_236] : memref<2x!tpu.dma_semaphore, #tpu.memory_space<semaphore_mem>> -> memref<1x!tpu.dma_semaphore, #tpu.memory_space<semaphore_mem>>
        %dma_start3A_241 = tpu.memref_squeeze %dma_start3A_240 : memref<1x!tpu.dma_semaphore, #tpu.memory_space<semaphore_mem>> -> memref<!tpu.dma_semaphore, #tpu.memory_space<semaphore_mem>>
        %dma_start3A_242 = arith.constant 0 : i32
        %dma_start3A_243 = tpu.memref_slice %arg2[%add3A, %dma_start3A_242, %mul3A_235] : memref<32x2x480000xf32, #tpu.memory_space<hbm>> -> memref<1x2x13312xf32, #tpu.memory_space<hbm>>
        %dma_start3A_244 = tpu.memref_squeeze %dma_start3A_243 : memref<1x2x13312xf32, #tpu.memory_space<hbm>> -> memref<2x13312xf32, #tpu.memory_space<hbm>>
        tpu.enqueue_dma source(%dma_start3A_244 : memref<2x13312xf32, #tpu.memory_space<hbm>>) target(%arg4 : memref<2x13312xf32, #tpu.memory_space<vmem>>) target_semaphore(%dma_start3A_241 : memref<!tpu.dma_semaphore, #tpu.memory_space<semaphore_mem>>)
      } else {
      }
      %mul3A_188 = arith.constant 2 : i32
      %mul3A_189 = arith.muli %mul3A_188, %scan3A_147 : i32
      %add3A_190 = arith.constant 1 : i32
      %add3A_191 = arith.addi %mul3A_189, %add3A_190 : i32
      %mul3A_192 = arith.constant 13312 : i32
      %mul3A_193 = arith.muli %add3A_191, %mul3A_192 : i32
      %dma_wait3A_194 = arith.constant 1 : i32
      %dma_wait3A_195 = arith.constant 0 : i32
      %dma_wait3A_196 = tpu.memref_slice %arg2[%add3A, %dma_wait3A_195, %mul3A_193] : memref<32x2x480000xf32, #tpu.memory_space<hbm>> -> memref<1x2x13312xf32, #tpu.memory_space<hbm>>
      %dma_wait3A_197 = tpu.memref_squeeze %dma_wait3A_196 : memref<1x2x13312xf32, #tpu.memory_space<hbm>> -> memref<2x13312xf32, #tpu.memory_space<hbm>>
      %dma_wait3A_198 = tpu.memref_slice %arg10[%dma_wait3A_194] : memref<2x!tpu.dma_semaphore, #tpu.memory_space<semaphore_mem>> -> memref<1x!tpu.dma_semaphore, #tpu.memory_space<semaphore_mem>>
      %dma_wait3A_199 = tpu.memref_squeeze %dma_wait3A_198 : memref<1x!tpu.dma_semaphore, #tpu.memory_space<semaphore_mem>> -> memref<!tpu.dma_semaphore, #tpu.memory_space<semaphore_mem>>
      %dma_wait3A_200 = arith.constant 0 : i32
      %dma_wait3A_201 = tpu.memref_slice %arg2[%add3A, %dma_wait3A_200, %mul3A_193] : memref<32x2x480000xf32, #tpu.memory_space<hbm>> -> memref<1x2x13312xf32, #tpu.memory_space<hbm>>
      %dma_wait3A_202 = tpu.memref_squeeze %dma_wait3A_201 : memref<1x2x13312xf32, #tpu.memory_space<hbm>> -> memref<2x13312xf32, #tpu.memory_space<hbm>>
      tpu.wait_dma2 semaphore(%dma_wait3A_199 : memref<!tpu.dma_semaphore, #tpu.memory_space<semaphore_mem>>) src(%dma_wait3A_202 : memref<2x13312xf32, #tpu.memory_space<hbm>>) dst(%arg5 : memref<2x13312xf32, #tpu.memory_space<vmem>>)
      %ge3A_203 = arith.constant 1 : i32
      %ge3A_204 = arith.cmpi sge, %scan3A_147, %ge3A_203 : i32
      %convert_element_type3A_205 = arith.extui %ge3A_204 : i1 to i32
      %cond3A_206 = arith.constant 0 : i32
      %cond3A_207 = arith.cmpi ne, %convert_element_type3A_205, %cond3A_206 : i32
      scf.if %cond3A_207 {
        %sub3A = arith.constant 2 : i32
        %sub3A_232 = arith.subi %add3A_191, %sub3A : i32
        %mul3A_233 = arith.constant 16640 : i32
        %mul3A_234 = arith.muli %sub3A_232, %mul3A_233 : i32
        %dma_wait3A_235 = arith.constant 1 : i32
        %dma_wait3A_236 = arith.constant 0 : i32
        %dma_wait3A_237 = tpu.memref_slice %arg3[%add3A, %dma_wait3A_236, %mul3A_234] : memref<32x2x600064xf32, #tpu.memory_space<hbm>> -> memref<1x2x16640xf32, #tpu.memory_space<hbm>>
        %dma_wait3A_238 = tpu.memref_squeeze %dma_wait3A_237 : memref<1x2x16640xf32, #tpu.memory_space<hbm>> -> memref<2x16640xf32, #tpu.memory_space<hbm>>
        %dma_wait3A_239 = tpu.memref_slice %arg11[%dma_wait3A_235] : memref<2x!tpu.dma_semaphore, #tpu.memory_space<semaphore_mem>> -> memref<1x!tpu.dma_semaphore, #tpu.memory_space<semaphore_mem>>
        %dma_wait3A_240 = tpu.memref_squeeze %dma_wait3A_239 : memref<1x!tpu.dma_semaphore, #tpu.memory_space<semaphore_mem>> -> memref<!tpu.dma_semaphore, #tpu.memory_space<semaphore_mem>>
        %dma_wait3A_241 = arith.constant 0 : i32
        %dma_wait3A_242 = tpu.memref_slice %arg3[%add3A, %dma_wait3A_241, %mul3A_234] : memref<32x2x600064xf32, #tpu.memory_space<hbm>> -> memref<1x2x16640xf32, #tpu.memory_space<hbm>>
        %dma_wait3A_243 = tpu.memref_squeeze %dma_wait3A_242 : memref<1x2x16640xf32, #tpu.memory_space<hbm>> -> memref<2x16640xf32, #tpu.memory_space<hbm>>
        tpu.wait_dma2 semaphore(%dma_wait3A_240 : memref<!tpu.dma_semaphore, #tpu.memory_space<semaphore_mem>>) src(%arg7 : memref<2x16640xf32, #tpu.memory_space<vmem>>) dst(%dma_wait3A_243 : memref<2x16640xf32, #tpu.memory_space<hbm>>)
      } else {
      }
      %parallel_loop3A_208 = arith.constant 0 : i32
      %parallel_loop3A_209 = arith.constant 208 : i32
      %parallel_loop3A_210 = arith.constant 1 : i32
      scf.for %parallel_loop3A_232 = %parallel_loop3A_208 to %parallel_loop3A_209 step %parallel_loop3A_210  : i32 {
        %parallel_loop3A_233 = arith.constant 80 : i32
        %parallel_loop3A_234 = arith.muli %parallel_loop3A_233, %parallel_loop3A_232 : i32
        %parallel_loop3A_235 = arith.constant 64 : i32
        %parallel_loop3A_236 = arith.muli %parallel_loop3A_235, %parallel_loop3A_232 : i32
        %parallel_loop3A_237 = vector.broadcast %parallel_loop3A_236 : i32 to vector<16xi32>
        %parallel_loop3A_238 = arith.addi %div3A_11, %parallel_loop3A_237 : vector<16xi32>
        %parallel_loop3A_239 = tpu.vector_load_idx %arg5[%broadcast_in_dim3A_60, %parallel_loop3A_238] : memref<2x13312xf32, #tpu.memory_space<vmem>>[vector<16xi32>, vector<16xi32>], vector<16xf32>,
        %parallel_loop3A_240 = arith.constant 0 : i32
        %parallel_loop3A_241 = arith.addi %parallel_loop3A_234, %parallel_loop3A_240 : i32
        %parallel_loop3A_242 = arith.constant 0 : i32
        %parallel_loop3A_243 = arith.index_cast %parallel_loop3A_242 : i32 to index
        %parallel_loop3A_244 = arith.index_cast %parallel_loop3A_241 : i32 to index
        %parallel_loop3A_245 = tpu.vector_load %arg7[%parallel_loop3A_243, %parallel_loop3A_244] {strides = array<i32>} : memref<2x16640xf32, #tpu.memory_space<vmem>>, vector<16xf32>,
        tpu.vector_store %arg7[%parallel_loop3A_243, %parallel_loop3A_244], %parallel_loop3A_239 {strides = array<i32>} : memref<2x16640xf32, #tpu.memory_space<vmem>>, vector<16xf32>,
        %parallel_loop3A_246 = vector.broadcast %parallel_loop3A_236 : i32 to vector<16xi32>
        %parallel_loop3A_247 = arith.addi %div3A_23, %parallel_loop3A_246 : vector<16xi32>
        %parallel_loop3A_248 = tpu.vector_load_idx %arg5[%broadcast_in_dim3A_60, %parallel_loop3A_247] : memref<2x13312xf32, #tpu.memory_space<vmem>>[vector<16xi32>, vector<16xi32>], vector<16xf32>,
        %parallel_loop3A_249 = arith.constant 16 : i32
        %parallel_loop3A_250 = arith.addi %parallel_loop3A_234, %parallel_loop3A_249 : i32
        %parallel_loop3A_251 = arith.constant 0 : i32
        %parallel_loop3A_252 = arith.index_cast %parallel_loop3A_251 : i32 to index
        %parallel_loop3A_253 = arith.index_cast %parallel_loop3A_250 : i32 to index
        %parallel_loop3A_254 = tpu.vector_load %arg7[%parallel_loop3A_252, %parallel_loop3A_253] {strides = array<i32>} : memref<2x16640xf32, #tpu.memory_space<vmem>>, vector<16xf32>,
        tpu.vector_store %arg7[%parallel_loop3A_252, %parallel_loop3A_253], %parallel_loop3A_248 {strides = array<i32>} : memref<2x16640xf32, #tpu.memory_space<vmem>>, vector<16xf32>,
        %parallel_loop3A_255 = vector.broadcast %parallel_loop3A_236 : i32 to vector<16xi32>
        %parallel_loop3A_256 = arith.addi %div3A_35, %parallel_loop3A_255 : vector<16xi32>
        %parallel_loop3A_257 = tpu.vector_load_idx %arg5[%broadcast_in_dim3A_60, %parallel_loop3A_256] : memref<2x13312xf32, #tpu.memory_space<vmem>>[vector<16xi32>, vector<16xi32>], vector<16xf32>,
        %parallel_loop3A_258 = arith.constant 32 : i32
        %parallel_loop3A_259 = arith.addi %parallel_loop3A_234, %parallel_loop3A_258 : i32
        %parallel_loop3A_260 = arith.constant 0 : i32
        %parallel_loop3A_261 = arith.index_cast %parallel_loop3A_260 : i32 to index
        %parallel_loop3A_262 = arith.index_cast %parallel_loop3A_259 : i32 to index
        %parallel_loop3A_263 = tpu.vector_load %arg7[%parallel_loop3A_261, %parallel_loop3A_262] {strides = array<i32>} : memref<2x16640xf32, #tpu.memory_space<vmem>>, vector<16xf32>,
        tpu.vector_store %arg7[%parallel_loop3A_261, %parallel_loop3A_262], %parallel_loop3A_257 {strides = array<i32>} : memref<2x16640xf32, #tpu.memory_space<vmem>>, vector<16xf32>,
        %parallel_loop3A_264 = vector.broadcast %parallel_loop3A_236 : i32 to vector<16xi32>
        %parallel_loop3A_265 = arith.addi %div3A_47, %parallel_loop3A_264 : vector<16xi32>
        %parallel_loop3A_266 = tpu.vector_load_idx %arg5[%broadcast_in_dim3A_60, %parallel_loop3A_265] : memref<2x13312xf32, #tpu.memory_space<vmem>>[vector<16xi32>, vector<16xi32>], vector<16xf32>,
        %parallel_loop3A_267 = arith.constant 48 : i32
        %parallel_loop3A_268 = arith.addi %parallel_loop3A_234, %parallel_loop3A_267 : i32
        %parallel_loop3A_269 = arith.constant 0 : i32
        %parallel_loop3A_270 = arith.index_cast %parallel_loop3A_269 : i32 to index
        %parallel_loop3A_271 = arith.index_cast %parallel_loop3A_268 : i32 to index
        %parallel_loop3A_272 = tpu.vector_load %arg7[%parallel_loop3A_270, %parallel_loop3A_271] {strides = array<i32>} : memref<2x16640xf32, #tpu.memory_space<vmem>>, vector<16xf32>,
        tpu.vector_store %arg7[%parallel_loop3A_270, %parallel_loop3A_271], %parallel_loop3A_266 {strides = array<i32>} : memref<2x16640xf32, #tpu.memory_space<vmem>>, vector<16xf32>,
        %parallel_loop3A_273 = vector.broadcast %parallel_loop3A_236 : i32 to vector<16xi32>
        %parallel_loop3A_274 = arith.addi %div3A_59, %parallel_loop3A_273 : vector<16xi32>
        %parallel_loop3A_275 = tpu.vector_load_idx %arg5[%broadcast_in_dim3A_60, %parallel_loop3A_274] : memref<2x13312xf32, #tpu.memory_space<vmem>>[vector<16xi32>, vector<16xi32>], vector<16xf32>,
        %parallel_loop3A_276 = arith.constant 64 : i32
        %parallel_loop3A_277 = arith.addi %parallel_loop3A_234, %parallel_loop3A_276 : i32
        %parallel_loop3A_278 = arith.constant 0 : i32
        %parallel_loop3A_279 = arith.index_cast %parallel_loop3A_278 : i32 to index
        %parallel_loop3A_280 = arith.index_cast %parallel_loop3A_277 : i32 to index
        %parallel_loop3A_281 = tpu.vector_load %arg7[%parallel_loop3A_279, %parallel_loop3A_280] {strides = array<i32>} : memref<2x16640xf32, #tpu.memory_space<vmem>>, vector<16xf32>,
        tpu.vector_store %arg7[%parallel_loop3A_279, %parallel_loop3A_280], %parallel_loop3A_275 {strides = array<i32>} : memref<2x16640xf32, #tpu.memory_space<vmem>>, vector<16xf32>,
      } {sc.loop_unroll_factor = 4 : i64, sc.parallel_access}
      %parallel_loop3A_211 = arith.constant 0 : i32
      %parallel_loop3A_212 = arith.constant 208 : i32
      %parallel_loop3A_213 = arith.constant 1 : i32
      scf.for %parallel_loop3A_232 = %parallel_loop3A_211 to %parallel_loop3A_212 step %parallel_loop3A_213  : i32 {
        %parallel_loop3A_233 = arith.constant 80 : i32
        %parallel_loop3A_234 = arith.muli %parallel_loop3A_233, %parallel_loop3A_232 : i32
        %parallel_loop3A_235 = arith.constant 64 : i32
        %parallel_loop3A_236 = arith.muli %parallel_loop3A_235, %parallel_loop3A_232 : i32
        %parallel_loop3A_237 = vector.broadcast %parallel_loop3A_236 : i32 to vector<16xi32>
        %parallel_loop3A_238 = arith.addi %div3A_11, %parallel_loop3A_237 : vector<16xi32>
        %parallel_loop3A_239 = tpu.vector_load_idx %arg5[%broadcast_in_dim3A_62, %parallel_loop3A_238] : memref<2x13312xf32, #tpu.memory_space<vmem>>[vector<16xi32>, vector<16xi32>], vector<16xf32>,
        %parallel_loop3A_240 = arith.constant 0 : i32
        %parallel_loop3A_241 = arith.addi %parallel_loop3A_234, %parallel_loop3A_240 : i32
        %parallel_loop3A_242 = arith.constant 1 : i32
        %parallel_loop3A_243 = arith.index_cast %parallel_loop3A_242 : i32 to index
        %parallel_loop3A_244 = arith.index_cast %parallel_loop3A_241 : i32 to index
        %parallel_loop3A_245 = tpu.vector_load %arg7[%parallel_loop3A_243, %parallel_loop3A_244] {strides = array<i32>} : memref<2x16640xf32, #tpu.memory_space<vmem>>, vector<16xf32>,
        tpu.vector_store %arg7[%parallel_loop3A_243, %parallel_loop3A_244], %parallel_loop3A_239 {strides = array<i32>} : memref<2x16640xf32, #tpu.memory_space<vmem>>, vector<16xf32>,
        %parallel_loop3A_246 = vector.broadcast %parallel_loop3A_236 : i32 to vector<16xi32>
        %parallel_loop3A_247 = arith.addi %div3A_23, %parallel_loop3A_246 : vector<16xi32>
        %parallel_loop3A_248 = tpu.vector_load_idx %arg5[%broadcast_in_dim3A_62, %parallel_loop3A_247] : memref<2x13312xf32, #tpu.memory_space<vmem>>[vector<16xi32>, vector<16xi32>], vector<16xf32>,
        %parallel_loop3A_249 = arith.constant 16 : i32
        %parallel_loop3A_250 = arith.addi %parallel_loop3A_234, %parallel_loop3A_249 : i32
        %parallel_loop3A_251 = arith.constant 1 : i32
        %parallel_loop3A_252 = arith.index_cast %parallel_loop3A_251 : i32 to index
        %parallel_loop3A_253 = arith.index_cast %parallel_loop3A_250 : i32 to index
        %parallel_loop3A_254 = tpu.vector_load %arg7[%parallel_loop3A_252, %parallel_loop3A_253] {strides = array<i32>} : memref<2x16640xf32, #tpu.memory_space<vmem>>, vector<16xf32>,
        tpu.vector_store %arg7[%parallel_loop3A_252, %parallel_loop3A_253], %parallel_loop3A_248 {strides = array<i32>} : memref<2x16640xf32, #tpu.memory_space<vmem>>, vector<16xf32>,
        %parallel_loop3A_255 = vector.broadcast %parallel_loop3A_236 : i32 to vector<16xi32>
        %parallel_loop3A_256 = arith.addi %div3A_35, %parallel_loop3A_255 : vector<16xi32>
        %parallel_loop3A_257 = tpu.vector_load_idx %arg5[%broadcast_in_dim3A_62, %parallel_loop3A_256] : memref<2x13312xf32, #tpu.memory_space<vmem>>[vector<16xi32>, vector<16xi32>], vector<16xf32>,
        %parallel_loop3A_258 = arith.constant 32 : i32
        %parallel_loop3A_259 = arith.addi %parallel_loop3A_234, %parallel_loop3A_258 : i32
        %parallel_loop3A_260 = arith.constant 1 : i32
        %parallel_loop3A_261 = arith.index_cast %parallel_loop3A_260 : i32 to index
        %parallel_loop3A_262 = arith.index_cast %parallel_loop3A_259 : i32 to index
        %parallel_loop3A_263 = tpu.vector_load %arg7[%parallel_loop3A_261, %parallel_loop3A_262] {strides = array<i32>} : memref<2x16640xf32, #tpu.memory_space<vmem>>, vector<16xf32>,
        tpu.vector_store %arg7[%parallel_loop3A_261, %parallel_loop3A_262], %parallel_loop3A_257 {strides = array<i32>} : memref<2x16640xf32, #tpu.memory_space<vmem>>, vector<16xf32>,
        %parallel_loop3A_264 = vector.broadcast %parallel_loop3A_236 : i32 to vector<16xi32>
        %parallel_loop3A_265 = arith.addi %div3A_47, %parallel_loop3A_264 : vector<16xi32>
        %parallel_loop3A_266 = tpu.vector_load_idx %arg5[%broadcast_in_dim3A_62, %parallel_loop3A_265] : memref<2x13312xf32, #tpu.memory_space<vmem>>[vector<16xi32>, vector<16xi32>], vector<16xf32>,
        %parallel_loop3A_267 = arith.constant 48 : i32
        %parallel_loop3A_268 = arith.addi %parallel_loop3A_234, %parallel_loop3A_267 : i32
        %parallel_loop3A_269 = arith.constant 1 : i32
        %parallel_loop3A_270 = arith.index_cast %parallel_loop3A_269 : i32 to index
        %parallel_loop3A_271 = arith.index_cast %parallel_loop3A_268 : i32 to index
        %parallel_loop3A_272 = tpu.vector_load %arg7[%parallel_loop3A_270, %parallel_loop3A_271] {strides = array<i32>} : memref<2x16640xf32, #tpu.memory_space<vmem>>, vector<16xf32>,
        tpu.vector_store %arg7[%parallel_loop3A_270, %parallel_loop3A_271], %parallel_loop3A_266 {strides = array<i32>} : memref<2x16640xf32, #tpu.memory_space<vmem>>, vector<16xf32>,
        %parallel_loop3A_273 = vector.broadcast %parallel_loop3A_236 : i32 to vector<16xi32>
        %parallel_loop3A_274 = arith.addi %div3A_59, %parallel_loop3A_273 : vector<16xi32>
        %parallel_loop3A_275 = tpu.vector_load_idx %arg5[%broadcast_in_dim3A_62, %parallel_loop3A_274] : memref<2x13312xf32, #tpu.memory_space<vmem>>[vector<16xi32>, vector<16xi32>], vector<16xf32>,
        %parallel_loop3A_276 = arith.constant 64 : i32
        %parallel_loop3A_277 = arith.addi %parallel_loop3A_234, %parallel_loop3A_276 : i32
        %parallel_loop3A_278 = arith.constant 1 : i32
        %parallel_loop3A_279 = arith.index_cast %parallel_loop3A_278 : i32 to index
        %parallel_loop3A_280 = arith.index_cast %parallel_loop3A_277 : i32 to index
        %parallel_loop3A_281 = tpu.vector_load %arg7[%parallel_loop3A_279, %parallel_loop3A_280] {strides = array<i32>} : memref<2x16640xf32, #tpu.memory_space<vmem>>, vector<16xf32>,
        tpu.vector_store %arg7[%parallel_loop3A_279, %parallel_loop3A_280], %parallel_loop3A_275 {strides = array<i32>} : memref<2x16640xf32, #tpu.memory_space<vmem>>, vector<16xf32>,
      } {sc.loop_unroll_factor = 4 : i64, sc.parallel_access}
      %mul3A_214 = arith.constant 16640 : i32
      %mul3A_215 = arith.muli %add3A_191, %mul3A_214 : i32
      %dma_start3A_216 = arith.constant 1 : i32
      %dma_start3A_217 = arith.constant 0 : i32
      %dma_start3A_218 = tpu.memref_slice %arg3[%add3A, %dma_start3A_217, %mul3A_215] : memref<32x2x600064xf32, #tpu.memory_space<hbm>> -> memref<1x2x16640xf32, #tpu.memory_space<hbm>>
      %dma_start3A_219 = tpu.memref_squeeze %dma_start3A_218 : memref<1x2x16640xf32, #tpu.memory_space<hbm>> -> memref<2x16640xf32, #tpu.memory_space<hbm>>
      %dma_start3A_220 = tpu.memref_slice %arg11[%dma_start3A_216] : memref<2x!tpu.dma_semaphore, #tpu.memory_space<semaphore_mem>> -> memref<1x!tpu.dma_semaphore, #tpu.memory_space<semaphore_mem>>
      %dma_start3A_221 = tpu.memref_squeeze %dma_start3A_220 : memref<1x!tpu.dma_semaphore, #tpu.memory_space<semaphore_mem>> -> memref<!tpu.dma_semaphore, #tpu.memory_space<semaphore_mem>>
      %dma_start3A_222 = arith.constant 0 : i32
      %dma_start3A_223 = tpu.memref_slice %arg3[%add3A, %dma_start3A_222, %mul3A_215] : memref<32x2x600064xf32, #tpu.memory_space<hbm>> -> memref<1x2x16640xf32, #tpu.memory_space<hbm>>
      %dma_start3A_224 = tpu.memref_squeeze %dma_start3A_223 : memref<1x2x16640xf32, #tpu.memory_space<hbm>> -> memref<2x16640xf32, #tpu.memory_space<hbm>>
      tpu.enqueue_dma source(%arg7 : memref<2x16640xf32, #tpu.memory_space<vmem>>) target(%dma_start3A_224 : memref<2x16640xf32, #tpu.memory_space<hbm>>) target_semaphore(%dma_start3A_221 : memref<!tpu.dma_semaphore, #tpu.memory_space<semaphore_mem>>)
      %add3A_225 = arith.constant 1 : i32
      %add3A_226 = arith.addi %scan3A_147, %add3A_225 : i32
      %lt3A_227 = arith.constant 18 : i32
      %lt3A_228 = arith.cmpi slt, %add3A_226, %lt3A_227 : i32
      %convert_element_type3A_229 = arith.extui %lt3A_228 : i1 to i32
      %cond3A_230 = arith.constant 0 : i32
      %cond3A_231 = arith.cmpi ne, %convert_element_type3A_229, %cond3A_230 : i32
      scf.if %cond3A_231 {
        %add3A_232 = arith.constant 2 : i32
        %add3A_233 = arith.addi %add3A_191, %add3A_232 : i32
        %mul3A_234 = arith.constant 13312 : i32
        %mul3A_235 = arith.muli %add3A_233, %mul3A_234 : i32
        %dma_start3A_236 = arith.constant 1 : i32
        %dma_start3A_237 = arith.constant 0 : i32
        %dma_start3A_238 = tpu.memref_slice %arg2[%add3A, %dma_start3A_237, %mul3A_235] : memref<32x2x480000xf32, #tpu.memory_space<hbm>> -> memref<1x2x13312xf32, #tpu.memory_space<hbm>>
        %dma_start3A_239 = tpu.memref_squeeze %dma_start3A_238 : memref<1x2x13312xf32, #tpu.memory_space<hbm>> -> memref<2x13312xf32, #tpu.memory_space<hbm>>
        %dma_start3A_240 = tpu.memref_slice %arg10[%dma_start3A_236] : memref<2x!tpu.dma_semaphore, #tpu.memory_space<semaphore_mem>> -> memref<1x!tpu.dma_semaphore, #tpu.memory_space<semaphore_mem>>
        %dma_start3A_241 = tpu.memref_squeeze %dma_start3A_240 : memref<1x!tpu.dma_semaphore, #tpu.memory_space<semaphore_mem>> -> memref<!tpu.dma_semaphore, #tpu.memory_space<semaphore_mem>>
        %dma_start3A_242 = arith.constant 0 : i32
        %dma_start3A_243 = tpu.memref_slice %arg2[%add3A, %dma_start3A_242, %mul3A_235] : memref<32x2x480000xf32, #tpu.memory_space<hbm>> -> memref<1x2x13312xf32, #tpu.memory_space<hbm>>
        %dma_start3A_244 = tpu.memref_squeeze %dma_start3A_243 : memref<1x2x13312xf32, #tpu.memory_space<hbm>> -> memref<2x13312xf32, #tpu.memory_space<hbm>>
        tpu.enqueue_dma source(%dma_start3A_244 : memref<2x13312xf32, #tpu.memory_space<hbm>>) target(%arg5 : memref<2x13312xf32, #tpu.memory_space<vmem>>) target_semaphore(%dma_start3A_241 : memref<!tpu.dma_semaphore, #tpu.memory_space<semaphore_mem>>)
      } else {
      }
    }
    %scan3A_116 = arith.constant 18 : i32
    %dma_wait3A_117 = arith.constant 0 : i32
    %dma_wait3A_118 = arith.constant 0 : i32
    %dma_wait3A_119 = arith.constant 565760 : i32
    %dma_wait3A_120 = tpu.memref_slice %arg3[%add3A, %dma_wait3A_118, %dma_wait3A_119] : memref<32x2x600064xf32, #tpu.memory_space<hbm>> -> memref<1x2x16640xf32, #tpu.memory_space<hbm>>
    %dma_wait3A_121 = tpu.memref_squeeze %dma_wait3A_120 : memref<1x2x16640xf32, #tpu.memory_space<hbm>> -> memref<2x16640xf32, #tpu.memory_space<hbm>>
    %dma_wait3A_122 = tpu.memref_slice %arg11[%dma_wait3A_117] : memref<2x!tpu.dma_semaphore, #tpu.memory_space<semaphore_mem>> -> memref<1x!tpu.dma_semaphore, #tpu.memory_space<semaphore_mem>>
    %dma_wait3A_123 = tpu.memref_squeeze %dma_wait3A_122 : memref<1x!tpu.dma_semaphore, #tpu.memory_space<semaphore_mem>> -> memref<!tpu.dma_semaphore, #tpu.memory_space<semaphore_mem>>
    %dma_wait3A_124 = arith.constant 0 : i32
    %dma_wait3A_125 = arith.constant 565760 : i32
    %dma_wait3A_126 = tpu.memref_slice %arg3[%add3A, %dma_wait3A_124, %dma_wait3A_125] : memref<32x2x600064xf32, #tpu.memory_space<hbm>> -> memref<1x2x16640xf32, #tpu.memory_space<hbm>>
    %dma_wait3A_127 = tpu.memref_squeeze %dma_wait3A_126 : memref<1x2x16640xf32, #tpu.memory_space<hbm>> -> memref<2x16640xf32, #tpu.memory_space<hbm>>
    tpu.wait_dma2 semaphore(%dma_wait3A_123 : memref<!tpu.dma_semaphore, #tpu.memory_space<semaphore_mem>>) src(%arg6 : memref<2x16640xf32, #tpu.memory_space<vmem>>) dst(%dma_wait3A_127 : memref<2x16640xf32, #tpu.memory_space<hbm>>)
    %dma_wait3A_128 = arith.constant 1 : i32
    %dma_wait3A_129 = arith.constant 0 : i32
    %dma_wait3A_130 = arith.constant 582400 : i32
    %dma_wait3A_131 = tpu.memref_slice %arg3[%add3A, %dma_wait3A_129, %dma_wait3A_130] : memref<32x2x600064xf32, #tpu.memory_space<hbm>> -> memref<1x2x16640xf32, #tpu.memory_space<hbm>>
    %dma_wait3A_132 = tpu.memref_squeeze %dma_wait3A_131 : memref<1x2x16640xf32, #tpu.memory_space<hbm>> -> memref<2x16640xf32, #tpu.memory_space<hbm>>
    %dma_wait3A_133 = tpu.memref_slice %arg11[%dma_wait3A_128] : memref<2x!tpu.dma_semaphore, #tpu.memory_space<semaphore_mem>> -> memref<1x!tpu.dma_semaphore, #tpu.memory_space<semaphore_mem>>
    %dma_wait3A_134 = tpu.memref_squeeze %dma_wait3A_133 : memref<1x!tpu.dma_semaphore, #tpu.memory_space<semaphore_mem>> -> memref<!tpu.dma_semaphore, #tpu.memory_space<semaphore_mem>>
    %dma_wait3A_135 = arith.constant 0 : i32
    %dma_wait3A_136 = arith.constant 582400 : i32
    %dma_wait3A_137 = tpu.memref_slice %arg3[%add3A, %dma_wait3A_135, %dma_wait3A_136] : memref<32x2x600064xf32, #tpu.memory_space<hbm>> -> memref<1x2x16640xf32, #tpu.memory_space<hbm>>
    %dma_wait3A_138 = tpu.memref_squeeze %dma_wait3A_137 : memref<1x2x16640xf32, #tpu.memory_space<hbm>> -> memref<2x16640xf32, #tpu.memory_space<hbm>>
    tpu.wait_dma2 semaphore(%dma_wait3A_134 : memref<!tpu.dma_semaphore, #tpu.memory_space<semaphore_mem>>) src(%arg7 : memref<2x16640xf32, #tpu.memory_space<vmem>>) dst(%dma_wait3A_138 : memref<2x16640xf32, #tpu.memory_space<hbm>>)
    %dma_wait3A_139 = arith.constant 0 : i32
    %dma_wait3A_140 = arith.constant 599040 : i32
    %dma_wait3A_141 = tpu.memref_slice %arg3[%add3A, %dma_wait3A_139, %dma_wait3A_140] : memref<32x2x600064xf32, #tpu.memory_space<hbm>> -> memref<1x2x1024xf32, #tpu.memory_space<hbm>>
    %dma_wait3A_142 = tpu.memref_squeeze %dma_wait3A_141 : memref<1x2x1024xf32, #tpu.memory_space<hbm>> -> memref<2x1024xf32, #tpu.memory_space<hbm>>
    %dma_wait3A_143 = arith.constant 0 : i32
    %dma_wait3A_144 = arith.constant 599040 : i32
    %dma_wait3A_145 = tpu.memref_slice %arg3[%add3A, %dma_wait3A_143, %dma_wait3A_144] : memref<32x2x600064xf32, #tpu.memory_space<hbm>> -> memref<1x2x1024xf32, #tpu.memory_space<hbm>>
    %dma_wait3A_146 = tpu.memref_squeeze %dma_wait3A_145 : memref<1x2x1024xf32, #tpu.memory_space<hbm>> -> memref<2x1024xf32, #tpu.memory_space<hbm>>
    tpu.wait_dma2 semaphore(%arg13 : memref<!tpu.dma_semaphore, #tpu.memory_space<semaphore_mem>>) src(%arg9 : memref<2x1024xf32, #tpu.memory_space<vmem>>) dst(%dma_wait3A_146 : memref<2x1024xf32, #tpu.memory_space<hbm>>)
    return
  }
}

</mosaic_0001>

<sc_bundles>
// kernel: kernel.3.cloned.1.call-start
scs
__scs_entry_jumppad:
0x0: {  	(pc) =	sbr.rel $0x88, $3  }
0x1: {  	(tag) =	ssettag $0x0;
	lr =	simm.s32 $0x1  }
0x2: {  	[smem:$0x3FA0] =	sst lr;
	_ =	strace $0xD0000000  }
0x3: {  	_ = 	snop  }
0x4: {  	_ = 	snop  }
0x5: {  	_ = 	snop  }
0x6: {  	_ = 	snop  }
0x7: {  	_ = 	snop  }
__scs_overlays_trampoline_lowered:
0x8: {  	[smem:$0x3FAF] =	sst s0  }
0x9: {  	[smem:$0x3FB0] =	sst s1  }
0xa: {  	[smem:$0x3FB1] =	sst s2  }
0xb: {  	[smem:$0x3FB2] =	sst s3  }
0xc: {  	[smem:$0x3FB3] =	sst s4  }
0xd: {  	[smem:$0x3FB4] =	sst s5  }
0xe: {  	[smem:$0x3FB5] =	sst s6  }
0xf: {  	[smem:$0x3FB6] =	sst s7  }
0x10: {  	[smem:$0x3FB7] =	sst s8  }
0x11: {  	[smem:$0x3FB8] =	sst s9;
	s0 =	simm.s32 @!p0 $0x0  }
0x12: {  	s1 =	sld [smem:$0x3F9E];
	s0 =	simm.s32 @p0 $0x1  }
0x13: {  	[smem:$0x3FB9] =	sst s0;
	s0 =	simm.s32 @!p1 $0x0  }
0x14: {  	s2 =	sld [smem:$0x3F9D];
	s0 =	simm.s32 @p1 $0x1  }
0x15: {  	[smem:$0x3FBA] =	sst s0;
	s0 =	simm.s32 @!p2 $0x0  }
0x16: {  	s3 =	sld [smem:$0x3FDB];
	s0 =	simm.s32 @p2 $0x1  }
0x17: {  	s4 =	simm.s32 $0x1BF5;
	[smem:$0x3FBC] =	sst s0  }
0x18: {  	s0 =	sld [smem:$0x3F9F];
	_ =	swait.ge [sflag:s4], $0x0  }
0x19: {  	s7 =	sld [smem:$0x3FA0]  }
0x1a: {  	s8 =	sadd.s32 $0xFFFFE003, lr  }
0x1b: {  	s9 =	sadd.s32 $0xFFFFFEF7, lr;
	s5 =	simm.s32 $0xFFFFFFFF;
	p2 =	slt.u32 s8, $0xFFFFF086  }
0x1c: {  	p1 =	slt.u32 s9, $0xF7A;
	s5 =	simm.s32 @!p2 $0x0  }
0x1d: {  	s5 =	simm.s32 @p1 $0x1;
	p0 =	seq.s32 s7, s2  }
0x1e: {  	s7 =	smul.u32 @!p0 $0xF7A, s2;
	p2 =	seq.s32 @!p0 s5, $0x0  }
0x1f: {  	s9 =	smul.u32 $0xF7A, s1;
	s8 =	simm.s32 @!p0 $0x1BF5;
	p2 =	por !p2, p0  }
0x20: {  	[sflag:s8] =	ssyncset.s32 @!p0 $0xFFFFF086;
	s6 =	sadd.s32 @!p0 s3, s7;
	s7 =	simm.s32 @!p0 $0x108  }
0x21: {  	s3 =	sadd.s32 s3, s9;
	s6 =	sadd.s32 @!p0 $0x88, s6;
	s7 =	simm.s32 @p2 $0x1082  }
0x22: {  	[simem:s7], [sflag:s8] =	dma.local @!p0 [hbm:s6], $0xF7A  }
0x23: {  	s9 =	sor.u32 $0xD0000000, s2;
	s6 =	simm.s32 $0x108;
	_ =	swait.ge @!p0 [sflag:s8], $0x0  }
0x24: {  	s3 =	sadd.s32 $0x88, s3;
	s6 =	simm.s32 @!p1 $0x1082;
	[sflag:s4] =	ssyncset.s32 $0xFFFFF086  }
0x25: {  	[simem:s6], [sflag:s4] =	dma.local [hbm:s3], $0xF7A  }
0x26: {  	[smem:$0x3FA0] =	sst s1;
	(tag) =	ssettag s2;
	_ =	strace s9  }
0x27: {  	s1 =	sld [smem:$0x3FB0]  }
0x28: {  	s2 =	sld [smem:$0x3FB1]  }
0x29: {  	s4 =	sld [smem:$0x3FB3]  }
0x2a: {  	p0 =	seq.s32 s5, $0x0;
	s5 =	sld [smem:$0x3FB4]  }
0x2b: {  	s6 =	sld [smem:$0x3FB5]  }
0x2c: {  	s7 =	sld [smem:$0x3FB6]  }
0x2d: {  	s3 =	simm.s32 $0x108;
	s8 =	sld [smem:$0x3FB7]  }
0x2e: {  	s3 =	simm.s32 @!p0 $0x1082;
	s9 =	sld [smem:$0x3FB8]  }
0x2f: {  	lr =	sadd.s32 s0, s3;
	s0 =	sld [smem:$0x3FAF]  }
0x30: {  	s3 =	sld [smem:$0x3FB2]  }
0x31: {  	[smem:$0x3FBB] =	sst s10  }
0x32: {  	s10 =	sld [smem:$0x3FB9];
	_ =	sdelay $0x3  }
0x33: {  	p0 =	seq.s32 s10, $0x1;
	s10 =	sld [smem:$0x3FBB];
	_ =	sdelay $0x3  }
0x34: {  	[smem:$0x3FBB] =	sst s10  }
0x35: {  	s10 =	sld [smem:$0x3FBA];
	_ =	sdelay $0x3  }
0x36: {  	p1 =	seq.s32 s10, $0x1;
	s10 =	sld [smem:$0x3FBB];
	_ =	sdelay $0x3  }
0x37: {  	[smem:$0x3FBB] =	sst s10  }
0x38: {  	s10 =	sld [smem:$0x3FBC]  }
0x39: {  	_ = 	snop;
	(pc) =	sbr.ind lr, $3  }
0x3a: {  	_ = 	snop  }
0x3b: {  	_ = 	snop  }
0x3c: {  	p2 =	seq.s32 s10, $0x1;
	s10 =	sld [smem:$0x3FBB]  }
0x3d: {  	_ =	shalt  }
0x3e: {  	_ =	shalt  }
0x3f: {  	_ =	shalt  }
0x40: {  	_ =	shalt  }
0x41: {  	_ =	shalt  }
0x42: {  	_ =	shalt  }
0x43: {  	_ =	shalt  }
0x44: {  	_ =	shalt  }
0x45: {  	_ =	shalt  }
0x46: {  	_ =	shalt  }
0x47: {  	_ =	shalt  }
0x48: {  	_ =	shalt  }
0x49: {  	_ =	shalt  }
0x4a: {  	_ =	shalt  }
0x4b: {  	_ =	shalt  }
0x4c: {  	_ =	shalt  }
0x4d: {  	_ =	shalt  }
0x4e: {  	_ =	shalt  }
0x4f: {  	_ =	shalt  }
0x50: {  	_ =	shalt  }
0x51: {  	_ =	shalt  }
0x52: {  	_ =	shalt  }
0x53: {  	_ =	shalt  }
0x54: {  	_ =	shalt  }
0x55: {  	_ =	shalt  }
0x56: {  	_ =	shalt  }
0x57: {  	_ =	shalt  }
0x58: {  	_ =	shalt  }
0x59: {  	_ =	shalt  }
0x5a: {  	_ =	shalt  }
0x5b: {  	_ =	shalt  }
0x5c: {  	_ =	shalt  }
0x5d: {  	_ =	shalt  }
0x5e: {  	_ =	shalt  }
0x5f: {  	_ =	shalt  }
0x60: {  	_ =	shalt  }
0x61: {  	_ =	shalt  }
0x62: {  	_ =	shalt  }
0x63: {  	_ =	shalt  }
0x64: {  	_ =	shalt  }
0x65: {  	_ =	shalt  }
0x66: {  	_ =	shalt  }
0x67: {  	_ =	shalt  }
0x68: {  	_ =	shalt  }
0x69: {  	_ =	shalt  }
0x6a: {  	_ =	shalt  }
0x6b: {  	_ =	shalt  }
0x6c: {  	_ =	shalt  }
0x6d: {  	_ =	shalt  }
0x6e: {  	_ =	shalt  }
0x6f: {  	_ =	shalt  }
0x70: {  	_ =	shalt  }
0x71: {  	_ =	shalt  }
0x72: {  	_ =	shalt  }
0x73: {  	_ =	shalt  }
0x74: {  	_ =	shalt  }
0x75: {  	_ =	shalt  }
0x76: {  	_ =	shalt  }
0x77: {  	_ =	shalt  }
0x78: {  	_ =	shalt  }
0x79: {  	_ =	shalt  }
0x7a: {  	_ =	shalt  }
0x7b: {  	_ =	shalt  }
0x7c: {  	_ =	shalt  }
0x7d: {  	_ =	shalt  }
0x7e: {  	_ =	shalt  }
0x7f: {  	_ =	shalt  }
0x80: {  	_ =	shalt  }
0x81: {  	_ =	shalt  }
0x82: {  	_ =	shalt  }
0x83: {  	_ =	shalt  }
0x84: {  	_ =	shalt  }
0x85: {  	_ =	shalt  }
0x86: {  	_ =	shalt  }
0x87: {  	_ =	shalt  }
.Lfunc_end0:
.L_simem_size_0:
called_computation_lowered:
.L_overlay_start_0:
0x88: {  	s2 =	sld [smem:$0x3FD9]  }
0x89: {  	s3 =	sld [smem:$0x3FFE];
	_ =	sdelay $0x1  }
0x8a: {  	s1 =	srdreg.scid  }
0x8b: {  	s0 =	sand.u32 $0x1, s1  }
0x8c: {  	s18 =	sshll.u32 s0, $0xA;
	s2 =	sadd.s32 s3, s2  }
0x8d: {  	s2 =	sadd.s32 s2, s18  }
0x8e: {  	[smem:$0x3FC7] =	sst s2  }
0x8f: {  	_ = 	snop  }
0x90: {  	s2 =	sld [smem:$0x3FC9]  }
0x91: {  	s19 =	sld [smem:$0x3FD0];
	(tm) =	ssettm $0x1  }
0x92: {  	s4 =	sld [smem:$0x3FFB];
	_ =	sdelay $0x3  }
0x93: {  	_ =	strace s4  }
0x94: {  	s4 =	sld [smem:$0x3FFC];
	_ =	sdelay $0x3  }
0x95: {  	_ =	strace s4  }
0x96: {  	s4 =	sld [smem:$0x3FFD];
	_ =	sdelay $0x3  }
0x97: {  	_ =	strace s4  }
0x98: {  	_ =	strace $0x8FFFFFFF  }
0x99: {  	s20 =	sld [smem:$0x3FDB];
	_ =	sdelay $0x1  }
0x9a: {  	s5 =	simm.s32 $_scs_section_size  }
0x9b: {  	s6 =	simm.s32 $_size__tile_overlayer_lowered;
	s7 =	simm.s32 $_tile_overlayer_lowered  }
0x9c: {  	s23 =	simm.s32 $0x1BFF;
	s22 =	sshll.u32 s7, $0x1;
	s4 =	sadd.s32 s5, s20  }
0x9d: {  	s8 =	simm.s32 $0x0;
	s21 =	sshll.u32 s6, $0x1;
	s6 =	sadd.s32 s22, s4  }
0x9e: {  	[timem:s8], [sflag:s23] =	dma.local [hbm:s6], s21  }
0x9f: {  	_ =	swait.ge [sflag:s23], s21  }
0xa0: {  	s5 =	ssub.s32 $0x0, s21;
	[sflag:s23] =	ssyncset.done $0x0  }
0xa1: {  	[sflag:s23] =	ssyncadd.s32 s5;
	_ =	sdelay $0x1  }
0xa2: {  	s24 =	simm.s32 $0x1B8B  }
0xa3: {  	_ =	swait.ge [sflag:s24], $0x1  }
0xa4: {  	[sflag:s24] =	ssyncset.done $0x0  }
0xa5: {  	s25 =	simm.s32 $0x1B8E;
	[sflag:s24] =	ssyncadd.s32 $0xFFFFFFFF  }
0xa6: {  	s26 =	simm.s32 $execute0_lowered;
	[smem:$0x3FD2] =	sst s25  }
0xa7: {  	s5 =	sshll.u32 s26, $0x1;
	_ =	strace $0x80000046;
	[dreg:$0x1] =	wrdreg $0xFFFFFFFF  }
0xa8: {  	s28 =	simm.s32 $_size_execute0_lowered;
	s4 =	sadd.s32 s4, s5;
	[dreg:$0x0] =	wrdreg $0x0  }
0xa9: {  	s5 =	sshll.u32 s28, $0x1;
	[dreg:$0x2] =	wrdreg s4  }
0xaa: {  	[dreg:$0x3] =	wrdreg s5  }
0xab: {  	[dreg:$0x4] =	wrdreg $0xC0  }
0xac: {  	_ =	task [dreg:s8], $0x5FFFF  }
0xad: {  	[dreg:$0x1] =	wrdreg $0xFFFFFFFF  }
0xae: {  	[dreg:$0x0] =	wrdreg $0x60  }
0xaf: {  	[dreg:$0x2] =	wrdreg s2  }
0xb0: {  	[dreg:$0x3] =	wrdreg s19  }
0xb1: {  	[dreg:$0x4] =	wrdreg $0x9  }
0xb2: {  	_ =	task.clear_ibuf [dreg:s8], $0x5FFFF;
	_ =	strace $0x90000046  }
0xb3: {  	s29 =	simm.s32 $0x9;
	_ =	strace $0x80000048  }
0xb4: {  	_ =	swait.ge [sflag:s29], $0x1  }
0xb5: {  	[sflag:s29] =	ssyncadd.s32 $0xFFFFFFFF  }
0xb6: {  	_ =	strace $0x90000048  }
0xb7: {  	_ =	sfence  }
0xb8: {  	s30 =	sld [smem:$0x0];
	_ =	sdelay $0x2  }
0xb9: {  	s31 =	sshll.u32 s1, $0xD;
	s1 =	sshrl.u32 s1, $0x2  }
0xba: {  	s3 =	sand.u32 $0x4000, s31;
	s1 =	sadd.s32 s1, s30  }
0xbb: {  	s0 =	sor.u32 s3, s0;
	s1 =	sshll.u32 s1, $0x11  }
0xbc: {  	s0 =	sor.u32 s1, s0  }
0xbd: {  	s0 =	sadd.s32 $0x8F2B, s0  }
0xbe: {  	[sflag:s0] =	ssyncadd.remote.s32 $0x1  }
0xbf: {  	_ =	sfence.sel $0xFFFF  }
0xc0: {  	[dreg:$0x0] =	wrdreg $0xFFFFFFFF;
	(pc) =	sbr.abs _section_cstart, $3  }
0xc1: {  	[dreg:$0x1] =	wrdreg $0xFFFFFFFF  }
0xc2: {  	_ =	task.clear_ibuf [dreg:s8], $0x2FFFF;
	_ =	strace $0x9FFFFFFF  }
0xc3: {  	(tm) =	ssettm $0x7FFFFFFF  }
tec
execute0_lowered:
.L_overlay_start_1:
0x0: {  	(tag) =	ssettag $0x1  }
0x1: {  	v0 =	vimm.s32 $0xCBAA9876;
	v1 =	vimm.s32 $0x65432210;
	v2 =	vimm.s32 $0x16151413  }
0x2: {  	v3 =	vimm.s32 $0x19181716;
	vm0 =	vcmask $0x1F10;
	v4 =	vimm.s32 $0x22222120  }
0x3: {  	v5 =	vimm.s32 $0x26252423;
	v6 =	vimm.s32 $0x1C1B1A1A;
	v7 =	vimm.s32 $0x1F1E1E1D  }
0x4: {  	v8 =	vimm.s32 $0x2F2E2E2D;
	v9 =	vimm.s32 $0x32323130;
	v10 =	vimm.s32 $0x4F4E4E4D  }
0x5: {  	v11 =	vimm.s32 $0x52525150;
	v12 =	vimm.s32 $0x62626160;
	v13 =	vimm.s32 $0x66656463  }
0x6: {  	v14 =	vimm.s32 $0x82828180;
	vm2 =	vcmask $0xF00;
	v0 =	vunpack.c.l.s4.s8 v0  }
0x7: {  	v15 =	vimm.s32 $0x92929190;
	vm1 =	vcmask $0x2F20;
	v1 =	vunpack.c.l.s4.s8 v1  }
0x8: {  	v16 =	vimm.s32 $0xA6A5A4A3;
	v17 =	vimm.s32 $0x9F9E9E9D;
	v0 =	vunpack.c.0.s8.s32 v0  }
0x9: {  	v18 =	vimm.s32 $0xA9A8A7A6;
	v63 =	vimm.s32 $0xB9B8B7B6;
	v1 =	vunpack.c.0.s8.s32 v1  }
0xa: {  	v2 =	vunpack.c.0.s8.s32 v2;
	v3 =	vunpack.c.0.s8.s32 v3;
	v0 =	vand.u32 $0xF, v0  }
0xb: {  	v4 =	vunpack.c.0.s8.s32 v4;
	v5 =	vunpack.c.0.s8.s32 v5;
	v0 =	vcombine.low v1, v0  }
0xc: {  	v1 =	vsel vm0, v3, v2;
	v2 =	vimm.s32 $0xF0E0E0D;
	v3 =	vimm.s32 $0x12121110  }
0xd: {  	v6 =	vunpack.c.0.s8.s32 v6;
	v2 =	vunpack.c.0.s8.s32 v2;
	v3 =	vunpack.c.0.s8.s32 v3  }
0xe: {  	v7 =	vunpack.c.0.s8.s32 v7;
	v10 =	vunpack.c.0.s8.s32 v10;
	v11 =	vunpack.c.0.s8.s32 v11  }
0xf: {  	v2 =	vsel vm0, v3, v2;
	v3 =	vunpack.c.0.s8.s32 v8;
	v8 =	vunpack.c.0.s8.s32 v9  }
0x10: {  	v9 =	vimm.s32 $0x39383736;
	v1 =	vcombine.low v2, v1;
	v2 =	vsel vm0, v5, v4  }
0x11: {  	v4 =	vsel vm0, v7, v6;
	v5 =	vimm.s32 $0x2C2B2A2A;
	v6 =	vimm.s32 $0x3C3B3A3A  }
0x12: {  	v7 =	vimm.s32 $0x3F3E3E3D;
	v2 =	vcombine.low v4, v2;
	v4 =	vimm.s32 $0x29282726  }
0x13: {  	v3 =	vsel vm0, v8, v3;
	v5 =	vunpack.c.0.s8.s32 v5;
	v4 =	vunpack.c.0.s8.s32 v4  }
0x14: {  	v6 =	vunpack.c.0.s8.s32 v6;
	v7 =	vunpack.c.0.s8.s32 v7;
	v8 =	vimm.s32 $0x36353433  }
0x15: {  	v4 =	vsel vm0, v5, v4;
	v5 =	vunpack.c.0.s8.s32 v8;
	v8 =	vunpack.c.0.s8.s32 v9  }
0x16: {  	v6 =	vsel vm0, v7, v6;
	v7 =	vimm.s32 $0x49484746;
	v9 =	vimm.s32 $0x4C4B4A4A  }
0x17: {  	v7 =	vunpack.c.0.s8.s32 v7;
	v5 =	vsel vm0, v8, v5;
	v8 =	vunpack.c.0.s8.s32 v9  }
0x18: {  	v3 =	vcombine.low v4, v3;
	v9 =	vimm.s32 $0x59585756;
	v4 =	vcombine.low v5, v6  }
0x19: {  	v6 =	vimm.s32 $0x42424140;
	v5 =	vsel vm0, v8, v7;
	v7 =	vimm.s32 $0x46454443  }
0x1a: {  	v6 =	vunpack.c.0.s8.s32 v6;
	v8 =	vimm.s32 $0x56555453;
	v7 =	vunpack.c.0.s8.s32 v7  }
0x1b: {  	v15 =	vunpack.c.0.s8.s32 v15;
	v9 =	vunpack.c.0.s8.s32 v9;
	v8 =	vunpack.c.0.s8.s32 v8  }
0x1c: {  	v6 =	vsel vm0, v7, v6;
	v7 =	vunpack.c.0.s8.s32 v12;
	v12 =	vunpack.c.0.s8.s32 v13  }
0x1d: {  	v13 =	vimm.s32 $0x6C6B6A6A;
	v5 =	vcombine.low v6, v5;
	v6 =	vsel vm0, v9, v8  }
0x1e: {  	v8 =	vsel vm0, v11, v10;
	v9 =	vimm.s32 $0x5F5E5E5D;
	v10 =	vimm.s32 $0x6F6E6E6D  }
0x1f: {  	v11 =	vimm.s32 $0x72727170;
	v6 =	vcombine.low v8, v6;
	v8 =	vimm.s32 $0x5C5B5A5A  }
0x20: {  	v7 =	vsel vm0, v12, v7;
	v9 =	vunpack.c.0.s8.s32 v9;
	v8 =	vunpack.c.0.s8.s32 v8  }
0x21: {  	v10 =	vunpack.c.0.s8.s32 v10;
	v11 =	vunpack.c.0.s8.s32 v11;
	v12 =	vimm.s32 $0x69686766  }
0x22: {  	v8 =	vsel vm0, v9, v8;
	v9 =	vunpack.c.0.s8.s32 v12;
	v12 =	vunpack.c.0.s8.s32 v13  }
0x23: {  	v13 =	vimm.s32 $0x79787776;
	v7 =	vcombine.low v8, v7;
	v8 =	vsel vm0, v11, v10  }
0x24: {  	v10 =	vimm.s32 $0x7C7B7A7A;
	v11 =	vimm.s32 $0x7F7E7E7D;
	v9 =	vsel vm0, v12, v9  }
0x25: {  	v10 =	vunpack.c.0.s8.s32 v10;
	v11 =	vunpack.c.0.s8.s32 v11;
	v12 =	vimm.s32 $0x76757473  }
0x26: {  	v13 =	vunpack.c.0.s8.s32 v13;
	v12 =	vunpack.c.0.s8.s32 v12;
	v8 =	vcombine.low v9, v8  }
0x27: {  	v10 =	vsel vm0, v11, v10;
	v11 =	vunpack.c.0.s8.s32 v14;
	v14 =	vimm.s32 $0x86858483  }
0x28: {  	v12 =	vsel vm0, v13, v12;
	v13 =	vunpack.c.0.s8.s32 v14;
	v14 =	vimm.s32 $0x8F8E8E8D  }
0x29: {  	v9 =	vcombine.low v12, v10;
	v10 =	vnsel vm2, $0x8C, v11;
	v12 =	vimm.s32 $0x96959493  }
0x2a: {  	v14 =	vunpack.c.0.s8.s32 v14;
	v10 =	vsel vm0, v13, v10;
	v13 =	vimm.s32 $0x99989796  }
0x2b: {  	v11 =	vimm.s32 $0x89888786;
	v12 =	vunpack.c.0.s8.s32 v12;
	v13 =	vunpack.c.0.s8.s32 v13  }
0x2c: {  	v11 =	vunpack.c.0.s8.s32 v11;
	v14 =	vsel vm0, v15, v14;
	v15 =	vunpack.c.0.s8.s32 v16  }
0x2d: {  	s0 =	srdreg.scid;
	s1 =	stileid.u32;
	v16 =	vimm.s32 $0x9C9B9A9A;
	v12 =	vsel vm0, v13, v12;
	v13 =	vimm.s32 $0xA2A2A1A0  }
0x2e: {  	v17 =	vunpack.c.0.s8.s32 v17;
	s0 =	sand.u32 $0x1, s0;
	s1 =	sshll.u32 s1, $0x1;
	v16 =	vunpack.c.0.s8.s32 v16;
	v13 =	vunpack.c.0.s8.s32 v13  }
0x2f: {  	v18 =	vunpack.c.0.s8.s32 v18;
	s1 =	sor.u32 s0, s1;
	v10 =	vsel vm1, v11, v10;
	v12 =	vcombine.low v14, v12  }
0x30: {  	s5 =	rddreg [dreg:$0x0];
	s4 =	simm.s32 $0x0;
	s2 =	smul.u32 $0xEA600, s1;
	v11 =	vsel vm0, v15, v13;
	v13 =	vsel vm0, v17, v16;
	v15 =	vimm.s32 $0xACABAAAA  }
0x31: {  	[smem:$0x7FF] =	sst s4;
	s7 =	smul.u32 $0x125000, s1;
	v16 =	vimm.s32 $0xAFAEAEAD;
	v17 =	vimm.s32 $0xB6B5B4B3;
	v15 =	vunpack.c.0.s8.s32 v15  }
0x32: {  	s6 =	rddreg [dreg:$0x1];
	_ =	strace $0x80000047;
	v14 =	vnsel vm2, $0xB2, v18;
	v16 =	vunpack.c.0.s8.s32 v16;
	v17 =	vunpack.c.0.s8.s32 v17  }
0x33: {  	s0 =	ssub.s32 $0x2, s0;
	s29 =	sadd.s32 $0xD000, s2;
	[dreg:$0x3] =	wrdreg s7;
	v13 =	vcombine.low v13, v11;
	v11 =	vsel vm0, v15, v14;
	v14 =	vunpack.c.0.s8.s32 v63  }
0x34: {  	vm11 =	vcmask $0x3730;
	s3 =	sshrl.u32 s0, $0x1;
	s30 =	sadd.s32 $0x8200, s7;
	[dreg:$0x8] =	wrdreg s29;
	v15 =	vsel vm1, v16, v11;
	v16 =	vnsel vm2, $0xBF, v17  }
0x35: {  	vm12 =	vcmask $0x3B38;
	s0 =	ssub.s32 s0, s3;
	s31 =	sadd.s32 $0x13800, s2;
	[dreg:$0x9] =	wrdreg s30;
	v14 =	vsel vm0, v14, v16;
	v16 =	vimm.s32 $0xBCBBBABA  }
0x36: {  	vm13 =	vcmask $0x3330;
	vm14 =	vcmask $0x3734;
	s24 =	sshrl.u32 s2, $0x3;
	s0 =	smax.u32 s0, $0x1;
	[dreg:$0xa] =	wrdreg s31;
	v16 =	vunpack.c.0.s8.s32 v16  }
0x37: {  	vm15 =	vcmask $0x3B34;
	s5 =	sadd.s32 s5, s24;
	[dreg:$0xb] =	wrdreg s0;
	v12 =	vand.u32 $0xFF, v12;
	v13 =	vand.u32 $0xFF, v13  }
0x38: {  	s25 =	sshrl.u32 s7, $0x3;
	s26 =	sadd.s32 $0x1D400, s5;
	[dreg:$0x4] =	wrdreg s5;
	v11 =	vlaneseq.u32;
	v17 =	vsel vm11, $0x8A, v10;
	v14 =	vsel vm1, v16, v14  }
0x39: {  	s1 =	sadd.s32 s6, s25;
	s28 =	sadd.s32 $0xD00, s5;
	[dreg:$0x5] =	wrdreg s26;
	v10 =	vmul.u32 $0x4, v11;
	v15 =	vsel vm13, $0xB0, v15;
	v14 =	vsel vm13, $0xBD, v14  }
0x3a: {  	s14 =	simm.s32 $0x1D400;
	s1 =	sadd.s32 $0x24900, s1;
	[dreg:$0x6] =	wrdreg s28;
	v11 =	vsel vm12, $0x8B, v17;
	v15 =	vsel vm14, $0xB1, v15;
	v16 =	vsel vm15, $0xBE, v14  }
0x3b: {  	s15 =	simm.s32 $0x6800;
	s2 =	simm.s32 $0x0;
	[dreg:$0x7] =	wrdreg s1;
	v11 =	vand.u32 $0xFF, v11;
	v14 =	vand.u32 $0xFF, v15;
	v15 =	vand.u32 $0xFF, v16  }
.LBB2_1:
0x3c: {  	s3 =	simm.s32 $0x20  }
0x3d: {  	s1 =	simm.s32 $0x30;
	s24 =	simm.s32 $0x0;
	s5 =	simm.s32 $0x10;
	v16 =	vmov s3  }
0x3e: {  	s0 =	rddreg [dreg:$0x5];
	s7 =	simm.s32 $0x50;
	s8 =	simm.s32 $0x40;
	v17 =	vmov s1;
	v18 =	vmov s24;
	v19 =	vmov s5  }
0x3f: {  	[tilespmem:s14], [sflag:$0x5] =	stream.linear.gather [hbm4b:s0+s4], $0x600, $0x38;
	v28 =	vmov s7;
	v30 =	vmov s8;
	v16 =	vshll.u32 v16, $0x2;
	[tilespmem:$0x1E200] =	vst v63  }
0x40: {  	s0 =	simm.s32 $0x60;
	v18 =	vshll.u32 v18, $0x2;
	v17 =	vshll.u32 v17, $0x2;
	v19 =	vshll.u32 v19, $0x2  }
0x41: {  	v29 =	vmov s0;
	v28 =	vshll.u32 v28, $0x2;
	v30 =	vshll.u32 v30, $0x2  }
0x42: {  	v16 =	vor.u32 v10, v16;
	v18 =	vor.u32 v10, v18;
	v19 =	vor.u32 v10, v19  }
0x43: {  	v17 =	vor.u32 v10, v17;
	v29 =	vshll.u32 v29, $0x2;
	v16 =	vor.u32 $0x2, v16  }
0x44: {  	v28 =	vor.u32 v10, v28;
	v18 =	vor.u32 $0x2, v18;
	v16 =	vmulhi.u32 $0x66666667, v16  }
0x45: {  	v30 =	vor.u32 v10, v30;
	v19 =	vor.u32 $0x2, v19;
	v18 =	vmulhi.u32 $0x66666667, v18  }
0x46: {  	v17 =	vor.u32 $0x2, v17;
	v29 =	vor.u32 v10, v29;
	v19 =	vmulhi.u32 $0x66666667, v19  }
0x47: {  	v30 =	vor.u32 $0x2, v30;
	v17 =	vmulhi.u32 $0x66666667, v17;
	v16 =	vshrl.u32 v16, $0x1  }
0x48: {  	v29 =	vor.u32 $0x2, v29;
	v18 =	vshrl.u32 v18, $0x1;
	v16 =	vmin.u32 v16, $0x2FF  }
0x49: {  	v22 =	vshrl.u32 v19, $0x1;
	v18 =	vmin.u32 v18, $0x2FF;
	v20 =	vshll.u32 v16, $0x1  }
0x4a: {  	[dreg:$0xc] =	wrdreg s2;
	v19 =	vand.u32 $0x7F, v16;
	v16 =	vshrl.u32 v17, $0x1;
	v17 =	vshll.u32 v18, $0x1  }
0x4b: {  	s25 =	rddreg [dreg:$0x4];
	v21 =	vand.u32 $0x700, v20;
	v20 =	vmin.u32 v22, $0x2FF;
	v16 =	vmin.u32 v16, $0x2FF  }
0x4c: {  	[tilespmem:s4], [sflag:$0x1] =	stream.linear.gather [hbm4b:s25+s4], $0x6800, $0x38;
	v22 =	vand.u32 $0x7F, v18;
	v23 =	vand.u32 $0x700, v17;
	v24 =	vor.u32 v19, v21;
	[tilespmem:$0x1E200] =	vst v63  }
0x4d: {  	s6 =	simm.s32 $0x70;
	s9 =	rddreg [dreg:$0x6];
	s26 =	simm.s32 $0x5;
	v25 =	vshll.u32 v20, $0x1;
	v26 =	vshll.u32 v16, $0x1;
	v20 =	vand.u32 $0x7F, v20  }
0x4e: {  	[tilespmem:s15], [sflag:$0x2] =	stream.linear.gather [hbm4b:s9+s4], $0x6800, $0x38;
	v17 =	vand.u32 $0x700, v25;
	v18 =	vand.u32 $0x700, v26;
	v26 =	vor.u32 v22, v23;
	[tilespmem:$0x1E200] =	vst v63  }
0x4f: {  	v30 =	vmulhi.u32 $0x66666667, v30;
	_ =	swait.ge [sflag:s26], $0x600;
	v25 =	vmov s6;
	v27 =	vor.u32 v20, v17  }
0x50: {  	v28 =	vor.u32 $0x2, v28;
	v29 =	vmulhi.u32 $0x66666667, v29;
	[sflag:s26] =	ssyncset.done $0x0;
	v25 =	vshll.u32 v25, $0x2  }
0x51: {  	v28 =	vmulhi.u32 $0x66666667, v28;
	[sflag:s26] =	ssyncadd.s32 $0xFFFFFA00;
	v16 =	vand.u32 $0x7F, v16;
	v25 =	vor.u32 v10, v25  }
0x52: {  	v33 =	vor.u32 v16, v18;
	v25 =	vor.u32 $0x2, v25;
	v31 =	vld.idx.msk [tilespmem:v24+s14+$0x0], $0xffff;
	v24 =	vshrl.u32 v29, $0x1  }
0x53: {  	v25 =	vmulhi.u32 $0x66666667, v25;
	v34 =	vld.idx.msk [tilespmem:v26+s14+$0x0], $0xffff;
	v26 =	vshrl.u32 v30, $0x1;
	v29 =	vmin.u32 v24, $0x2FF  }
0x54: {  	s28 =	sand.u32 $0x700, s4;
	v35 =	vld.idx.msk [tilespmem:v27+s14+$0x0], $0xffff;
	v24 =	vmin.u32 v26, $0x2FF;
	v26 =	vshrl.u32 v28, $0x1;
	v28 =	vshll.u32 v29, $0x1  }
0x55: {  	s10 =	sand.u32 $0x50, s5;
	s3 =	sand.u32 $0x60, s3;
	s9 =	sadd.s32 $0x1DA00, s28;
	v27 =	vand.u32 $0x7F, v29;
	v25 =	vshrl.u32 v25, $0x1;
	v28 =	vand.u32 $0x700, v28  }
0x56: {  	s2 =	sand.u32 $0x40, s24;
	s11 =	sand.u32 $0x70, s1;
	s29 =	sor.u32 s3, s9;
	v26 =	vmin.u32 v26, $0x2FF;
	v25 =	vmin.u32 v25, $0x2FF;
	v32 =	vor.u32 v27, v28  }
0x57: {  	s1 =	sand.u32 $0x50, s7;
	s5 =	sand.u32 $0x40, s8;
	s30 =	sor.u32 s2, s9;
	v33 =	vld.idx.msk [tilespmem:v33+s14+$0x0], $0xffff;
	v30 =	vshll.u32 v24, $0x1;
	v36 =	vand.u32 $0x7F, v24;
	v29 =	vshll.u32 v25, $0x1;
	[tilespmem:s29+$0x0] =	vst v31  }
0x58: {  	s7 =	simm.s32 $0xB0;
	s3 =	simm.s32 $0x4;
	s31 =	sor.u32 s10, s9;
	v37 =	vand.u32 $0x700, v30;
	v39 =	vand.u32 $0x7F, v26;
	v31 =	vshll.u32 v26, $0x1;
	[tilespmem:s30+$0x0] =	vst v34  }
0x59: {  	s2 =	sand.u32 $0x70, s6;
	s8 =	sor.u32 s11, s9;
	s6 =	simm.s32 $0x0;
	v38 =	vand.u32 $0x700, v31;
	v34 =	vand.u32 $0x7F, v25;
	[tilespmem:s31+$0x0] =	vst v35;
	v35 =	vand.u32 $0x700, v29  }
.LBB2_2:
0x5a: {  	s9 =	sadd.s32 $0xFFFFFFE0, s7;
	s10 =	sadd.s32 $0xFFFFFFF0, s7;
	v40 =	vmov s7;
	s3 =	sadd.s32 $0x4, s3;
	v36 =	vor.u32 v36, v37;
	v37 =	vor.u32 v39, v38  }
0x5b: {  	s11 =	sadd.s32 $0xFFFFFFD0, s7;
	v38 =	vmov s9;
	s9 =	sand.u32 $0x50, s9;
	v39 =	vmov s10;
	v40 =	vshll.u32 v40, $0x2;
	p0 =	slt.u32 s3, $0x3C;
	v32 =	vld.idx.msk [tilespmem:v32+s14+$0x0], $0xffff  }
0x5c: {  	s12 =	sand.u32 $0x70, s7;
	v41 =	vmov s11;
	s11 =	sand.u32 $0x40, s11;
	v38 =	vshll.u32 v38, $0x2;
	v39 =	vshll.u32 v39, $0x2;
	[tilespmem:s8+$0x0] =	vst v33  }
0x5d: {  	s6 =	sadd.s32 $0x80, s6;
	v33 =	vshll.u32 v41, $0x2;
	v38 =	vor.u32 v10, v38;
	v39 =	vor.u32 v10, v39  }
0x5e: {  	v40 =	vor.u32 v10, v40;
	s8 =	sand.u32 $0x700, s6;
	v33 =	vor.u32 v10, v33;
	v39 =	vor.u32 $0x2, v39  }
0x5f: {  	s0 =	sand.u32 $0x60, s0;
	s8 =	sadd.s32 $0x1DA00, s8;
	v33 =	vor.u32 $0x2, v33;
	v38 =	vor.u32 $0x2, v38;
	v39 =	vmulhi.u32 $0x66666667, v39;
	v36 =	vld.idx.msk [tilespmem:v36+s14+$0x0], $0xffff  }
0x60: {  	v34 =	vor.u32 v34, v35;
	v40 =	vor.u32 $0x2, v40;
	s13 =	sor.u32 s5, s8;
	s16 =	sor.u32 s1, s8;
	s0 =	sor.u32 s0, s8;
	v33 =	vmulhi.u32 $0x66666667, v33;
	v37 =	vld.idx.msk [tilespmem:v37+s14+$0x0], $0xffff  }
0x61: {  	s8 =	sor.u32 s2, s8;
	v35 =	vmulhi.u32 $0x66666667, v38;
	v38 =	vshrl.u32 v39, $0x1;
	[tilespmem:s0+$0x0] =	vst v32  }
0x62: {  	s1 =	smov.u32 s9;
	s5 =	smov.u32 s11;
	v32 =	vshrl.u32 v33, $0x1;
	s0 =	smov.u32 s10;
	v33 =	vmin.u32 v38, $0x2FF;
	v38 =	vmulhi.u32 $0x66666667, v40  }
0x63: {  	s2 =	smov.u32 s12;
	v39 =	vmin.u32 v32, $0x2FF;
	v32 =	vshrl.u32 v35, $0x1;
	v35 =	vshll.u32 v33, $0x1  }
.Ltmp0:
0x64: {  	v33 =	vand.u32 $0x7F, v33;
	v35 =	vand.u32 $0x700, v35;
	v38 =	vshrl.u32 v38, $0x1;
	(pc) =	sbr.rel @p0 .LBB2_2-.Ltmp0, $4  }
0x65: {  	v40 =	vmin.u32 v32, $0x2FF;
	v32 =	vor.u32 v33, v35;
	v35 =	vmin.u32 v38, $0x2FF;
	[tilespmem:s13+$0x0] =	vst v36;
	v33 =	vld.idx.msk [tilespmem:v34+s14+$0x0], $0xffff  }
0x66: {  	v34 =	vshll.u32 v39, $0x1;
	v38 =	vshll.u32 v40, $0x1;
	v41 =	vshll.u32 v35, $0x1;
	[tilespmem:s16+$0x0] =	vst v37  }
0x67: {  	v36 =	vand.u32 $0x7F, v39;
	v37 =	vand.u32 $0x700, v34;
	v38 =	vand.u32 $0x700, v38  }
0x68: {  	s7 =	sadd.s32 $0x40, s7;
	v39 =	vand.u32 $0x7F, v40;
	v34 =	vand.u32 $0x7F, v35;
	v35 =	vand.u32 $0x700, v41  }
0x69: {  	v36 =	vor.u32 v36, v37  }
0x6a: {  	v59 =	vor.u32 v39, v38  }
0x6b: {  	v34 =	vor.u32 v34, v35;
	_ =	sdelay $0x1  }
0x6c: {  	v32 =	vld.idx.msk [tilespmem:v32+s14+$0x0], $0xffff  }
0x6d: {  	s3 =	sadd.s32 $0x80, s6;
	v60 =	vld.idx.msk [tilespmem:v36+s14+$0x0], $0xffff  }
0x6e: {  	s3 =	sand.u32 $0x700, s3;
	v61 =	vld.idx.msk [tilespmem:v59+s14+$0x0], $0xffff  }
0x6f: {  	s0 =	sand.u32 $0x60, s0;
	v19 =	vor.u32 v21, v19;
	s3 =	sadd.s32 $0x1DA00, s3;
	v34 =	vld.idx.msk [tilespmem:v34+s14+$0x0], $0xffff  }
0x70: {  	v21 =	vor.u32 v23, v22;
	[tilespmem:s8+$0x0] =	vst v33;
	v19 =	vor.u32 $0x80, v19;
	s0 =	sor.u32 s0, s3  }
0x71: {  	v21 =	vor.u32 $0x80, v21;
	s5 =	sor.u32 s5, s3;
	[tilespmem:s0+$0x0] =	vst v32  }
0x72: {  	v17 =	vor.u32 v17, v20;
	s25 =	sor.u32 s1, s3;
	[tilespmem:s5+$0x0] =	vst v60  }
0x73: {  	v16 =	vor.u32 v18, v16;
	v17 =	vor.u32 $0x80, v17;
	s26 =	sor.u32 s2, s3;
	[tilespmem:s25+$0x0] =	vst v61  }
0x74: {  	v22 =	vor.u32 $0x80, v16;
	s1 =	simm.s32 $0x0;
	[tilespmem:s26+$0x0] =	vst v34  }
0x75: {  	p0 =	por $0x0, $0x0;
	s2 =	simm.s32 $0x4;
	s28 =	sand.u32 $0x3, s1;
	v19 =	vld.idx.msk [tilespmem:v19+s14+$0x0], $0xffff  }
0x76: {  	s29 =	sand.u32 $0x7, s1;
	s0 =	simm.s32 $0x20;
	s5 =	simm.s32 $0x1;
	v21 =	vld.idx.msk [tilespmem:v21+s14+$0x0], $0xffff  }
0x77: {  	v16 =	vor.u32 v28, v27;
	s3 =	sshll.u32 s28, $0x5;
	s6 =	sshll.u32 s29, $0x4;
	s5 =	simm.s32 @!p0 $0x0  }
0x78: {  	v18 =	vor.u32 $0x80, v16;
	s3 =	sadd.s32 $0x20, s3;
	s30 =	sadd.s32 $0x0, s6;
	v16 =	vld.idx.msk [tilespmem:v17+s14+$0x0], $0xffff;
	s5 =	sshll.u32 s5, $0x6  }
0x79: {  	v23 =	vand.u32 $0x700, v30;
	v62 =	vand.u32 $0x700, v31;
	s6 =	simm.s32 $0xB0;
	s3 =	sor.u32 $0x80, s3;
	v17 =	vld.idx.msk [tilespmem:v22+s14+$0x0], $0xffff;
	s5 =	sadd.s32 $0x0, s5  }
0x7a: {  	v63 =	vand.u32 $0x7F, v26;
	v20 =	vand.u32 $0x700, v29;
	s7 =	sadd.s32 $0x10, s30;
	s8 =	sadd.s32 $0x30, s30;
	s31 =	sor.u32 $0x80, s5;
	[tilespmem:s3+$0x1DA00] =	vst v19;
	v19 =	vand.u32 $0x7F, v24  }
0x7b: {  	s7 =	sor.u32 $0x80, s7;
	v22 =	vand.u32 $0x7F, v25;
	s5 =	simm.s32 $0x0;
	[tilespmem:s31+$0x1DA00] =	vst v21;
	s3 =	simm.s32 $0x0;
	v21 =	vor.u32 v23, v19;
	v19 =	vor.u32 v62, v63  }
.LBB2_4:
0x7c: {  	s9 =	sadd.s32 $0xFFFFFFD0, s6;
	s10 =	sadd.s32 $0xFFFFFFF0, s6;
	v23 =	vmov s6;
	s2 =	sadd.s32 $0x4, s2;
	v21 =	vor.u32 $0x80, v21;
	v20 =	vor.u32 v20, v22  }
0x7d: {  	v22 =	vmov s9;
	s9 =	sadd.s32 $0xFFFFFFE0, s6;
	v24 =	vmov s10;
	v23 =	vshll.u32 v23, $0x2;
	p1 =	slt.u32 s2, $0x3C;
	v18 =	vld.idx.msk [tilespmem:v18+s14+$0x0], $0xffff;
	[tilespmem:s7+$0x1DA00] =	vst v16;
	s7 =	sor.u32 $0x80, s8  }
0x7e: {  	s1 =	sadd.s32 $0x2, s1;
	v16 =	vshll.u32 v22, $0x2;
	v22 =	vmov s9;
	v24 =	vshll.u32 v24, $0x2;
	[tilespmem:s7+$0x1DA00] =	vst v17  }
0x7f: {  	s7 =	sand.u32 $0x3, s1;
	v16 =	vor.u32 v10, v16;
	v17 =	vshll.u32 v22, $0x2;
	v22 =	vor.u32 v10, v24  }
0x80: {  	s0 =	sadd.s32 $0x80, s0;
	v23 =	vor.u32 v10, v23;
	s7 =	sshll.u32 s7, $0x5;
	v17 =	vor.u32 v10, v17;
	v22 =	vor.u32 $0x2, v22  }
0x81: {  	v16 =	vor.u32 $0x2, v16;
	s7 =	sadd.s32 s7, s0;
	v17 =	vor.u32 $0x2, v17;
	v22 =	vmulhi.u32 $0x66666667, v22;
	v21 =	vld.idx.msk [tilespmem:v21+s14+$0x0], $0xffff  }
0x82: {  	v19 =	vor.u32 $0x80, v19;
	p0 =	por !p0, !p0;
	s8 =	simm.s32 $0x1;
	v23 =	vor.u32 $0x2, v23;
	v16 =	vmulhi.u32 $0x66666667, v16;
	s7 =	sor.u32 $0x80, s7  }
0x83: {  	v20 =	vor.u32 $0x80, v20;
	s8 =	simm.s32 @!p0 $0x0;
	v17 =	vmulhi.u32 $0x66666667, v17;
	v22 =	vshrl.u32 v22, $0x1;
	[tilespmem:s7+$0x1DA00] =	vst v18  }
0x84: {  	s3 =	sadd.s32 $0x80, s3;
	v16 =	vshrl.u32 v16, $0x1;
	s7 =	sshll.u32 s8, $0x6;
	v18 =	vmin.u32 v22, $0x2FF;
	v22 =	vmulhi.u32 $0x66666667, v23  }
0x85: {  	v23 =	vmin.u32 v16, $0x2FF;
	v16 =	vshrl.u32 v17, $0x1;
	s7 =	sadd.s32 s7, s3;
	v17 =	vshll.u32 v18, $0x1  }
0x86: {  	s5 =	sadd.s32 $0x4, s5;
	v18 =	vand.u32 $0x7F, v18;
	s7 =	sor.u32 $0x80, s7;
	v17 =	vand.u32 $0x700, v17;
	v22 =	vshrl.u32 v22, $0x1  }
.Ltmp1:
0x87: {  	s8 =	sand.u32 $0x7, s5;
	v24 =	vmin.u32 v16, $0x2FF;
	v17 =	vor.u32 v17, v18;
	v22 =	vmin.u32 v22, $0x2FF;
	[tilespmem:s7+$0x1DA00] =	vst v21;
	v16 =	vld.idx.msk [tilespmem:v19+s14+$0x0], $0xffff;
	(pc) =	sbr.rel @p1 .LBB2_4-.Ltmp1, $4  }
0x88: {  	v19 =	vshll.u32 v23, $0x1;
	v21 =	vshll.u32 v24, $0x1;
	s7 =	sshll.u32 s8, $0x4;
	v18 =	vor.u32 $0x80, v17;
	v17 =	vld.idx.msk [tilespmem:v20+s14+$0x0], $0xffff  }
0x89: {  	v19 =	vand.u32 $0x700, v19;
	v25 =	vand.u32 $0x700, v21;
	v20 =	vshll.u32 v22, $0x1;
	s8 =	sadd.s32 s7, s3  }
0x8a: {  	v21 =	vand.u32 $0x7F, v23;
	v23 =	vand.u32 $0x7F, v24;
	v20 =	vand.u32 $0x700, v20;
	s7 =	sadd.s32 $0x10, s8  }
0x8b: {  	s6 =	sadd.s32 $0x40, s6;
	v22 =	vand.u32 $0x7F, v22;
	v21 =	vor.u32 v19, v21;
	v19 =	vor.u32 v25, v23;
	s8 =	sadd.s32 $0x30, s8;
	s7 =	sor.u32 $0x80, s7  }
0x8c: {  	v21 =	vor.u32 $0x80, v21  }
0x8d: {  	v20 =	vor.u32 v20, v22;
	v19 =	vor.u32 $0x80, v19  }
0x8e: {  	s1 =	sadd.s32 $0x2, s1;
	v20 =	vor.u32 $0x80, v20  }
0x8f: {  	s1 =	sand.u32 $0x3, s1  }
0x90: {  	s0 =	sadd.s32 $0x80, s0;
	v18 =	vld.idx.msk [tilespmem:v18+s14+$0x0], $0xffff;
	p0 =	por !p0, !p0;
	s1 =	sshll.u32 s1, $0x5  }
0x91: {  	s2 =	sadd.s32 $0x4, s5;
	s0 =	sadd.s32 s1, s0;
	s1 =	simm.s32 $0x1;
	v21 =	vld.idx.msk [tilespmem:v21+s14+$0x0], $0xffff  }
0x92: {  	s24 =	sor.u32 $0x80, s8;
	s2 =	sand.u32 $0x7, s2;
	s1 =	simm.s32 @!p0 $0x0;
	v19 =	vld.idx.msk [tilespmem:v19+s14+$0x0], $0xffff  }
0x93: {  	[tilespmem:s7+$0x1DA00] =	vst v16;
	s3 =	sadd.s32 $0x80, s3;
	s2 =	sshll.u32 s2, $0x4;
	s1 =	sshll.u32 s1, $0x6;
	v16 =	vld.idx.msk [tilespmem:v20+s14+$0x0], $0xffff  }
0x94: {  	[tilespmem:s24+$0x1DA00] =	vst v17;
	s2 =	sadd.s32 s2, s3;
	s0 =	sor.u32 $0x80, s0;
	s1 =	sadd.s32 s1, s3  }
0x95: {  	s26 =	sadd.s32 $0x10, s2;
	[tilespmem:s0+$0x1DA00] =	vst v18;
	s25 =	sor.u32 $0x80, s1  }
0x96: {  	s29 =	sadd.s32 $0x30, s2;
	s28 =	sor.u32 $0x80, s26;
	[tilespmem:s25+$0x1DA00] =	vst v21  }
0x97: {  	s30 =	sor.u32 $0x80, s29;
	[tilespmem:s28+$0x1DA00] =	vst v19  }
0x98: {  	[tilespmem:s30+$0x1DA00] =	vst v16  }
0x99: {  	s31 =	simm.s32 $0x1DA00;
	s2 =	simm.s32 $0x0;
	s0 =	rddreg [dreg:$0x7]  }
0x9a: {  	[hbm4b:s0+s2] =	stream.linear.scatter [tilespmem:s31], [sflag:$0x6], $0x800, $0x38;
	[tilespmem:$0x1E200] =	vst v63  }
.LBB2_6:
0x9b: {  	s0 =	simm.s32 $0x40  }
0x9c: {  	v16 =	vmov s0  }
0x9d: {  	s20 =	simm.s32 $0x1;
	p0 =	seq.s32 s2, $0x0;
	v21 =	vshll.u32 v16, $0x1  }
0x9e: {  	s3 =	simm.s32 $0x260;
	s21 =	simm.s32 $0xC0;
	s9 =	simm.s32 $0x130;
	v16 =	vand.u32 $0x7E00, v21  }
0x9f: {  	s1 =	simm.s32 $0x50;
	s22 =	simm.s32 $0xA0;
	s5 =	simm.s32 $0x80;
	v17 =	vmov s21;
	v26 =	vbroadcast v16, $0x0  }
0xa0: {  	s24 =	simm.s32 $0x0;
	s25 =	simm.s32 $0x0;
	_ =	swait.ge [sflag:s20], $0x6800;
	v23 =	vshll.u32 v17, $0x1  }
0xa1: {  	s26 =	simm.s32 $0xA0;
	s29 =	simm.s32 $0x140;
	[sflag:s20] =	ssyncset.done $0x0;
	v19 =	vand.u32 $0x7F00, v23;
	v16 =	vor.u32 v5, v26  }
0xa2: {  	[dreg:$0xd] =	wrdreg s2;
	s0 =	simm.s32 @!p0 $0x3;
	[sflag:s20] =	ssyncadd.s32 $0xFFFF9800;
	v25 =	vbroadcast v19, $0x0  }
0xa3: {  	s7 =	simm.s32 $0xF0;
	s8 =	simm.s32 $0x1E0;
	_ =	swait.ge @!p0 [sflag:s0], $0x8200  }
0xa4: {  	s10 =	simm.s32 $0x0;
	s6 =	sand.u32 $0x50, s1;
	v18 =	vmov s5;
	[sflag:s0] =	ssyncset.done @!p0 $0x0;
	v22 =	vor.u32 v5, v25  }
0xa5: {  	s12 =	simm.s32 $0xC0;
	v17 =	vshll.u32 v18, $0x1;
	[dreg:$0x10] =	wrdreg s6;
	[sflag:s0] =	ssyncadd.s32 @!p0 $0xFFFF7E00  }
0xa6: {  	s16 =	simm.s32 $0x100;
	s17 =	simm.s32 $0x200;
	s18 =	simm.s32 $0xC0;
	v18 =	vbroadcast v17, $0x0;
	v16 =	vld.idx.msk [tilespmem:v16+s4+$0x0], $0xffff  }
0xa7: {  	s19 =	simm.s32 $0x110;
	s28 =	simm.s32 $0x210;
	s23 =	sand.u32 $0xFF00, s22;
	v20 =	vor.u32 v6, v26  }
0xa8: {  	s11 =	sand.u32 $0xFF00, s25;
	s31 =	sand.u32 $0x60, s26;
	s2 =	sand.u32 $0x40, s10;
	v17 =	vmov s24;
	v19 =	vor.u32 v0, v18  }
0xa9: {  	s5 =	sand.u32 $0xFF00, s29;
	s8 =	sand.u32 $0xFF00, s8;
	s13 =	sand.u32 $0xFF00, s12;
	v17 =	vshll.u32 v17, $0x1;
	v22 =	vld.idx.msk [tilespmem:v22+s4+$0x0], $0xffff  }
0xaa: {  	s1 =	sor.u32 s2, s11;
	s11 =	simm.s32 $0x60;
	s6 =	sor.u32 s6, s23;
	v17 =	vbroadcast v17, $0x0;
	v28 =	vor.u32 v6, v25  }
0xab: {  	s12 =	simm.s32 $0x180;
	s10 =	sor.u32 s31, s5;
	s30 =	sand.u32 $0x60, s11;
	[tilespmem:s6+$0xD000] =	vst v16  }
0xac: {  	s5 =	sor.u32 s30, s13;
	s13 =	sand.u32 $0x40, s18;
	s0 =	sand.u32 $0x70, s7;
	v16 =	vor.u32 v0, v17;
	v20 =	vld.idx.msk [tilespmem:v20+s4+$0x0], $0xffff  }
0xad: {  	s22 =	simm.s32 $0xD0;
	v24 =	vor.u32 v7, v26;
	s2 =	sor.u32 s0, s8;
	v19 =	vld.idx.msk [tilespmem:v19+s4+$0x0], $0xffff;
	[dreg:$0x11] =	wrdreg s13  }
0xae: {  	s25 =	simm.s32 $0x140;
	s26 =	simm.s32 $0x1C0;
	s9 =	sand.u32 $0x70, s9;
	[tilespmem:s2+$0xD000] =	vst v22  }
0xaf: {  	s3 =	sand.u32 $0x1FF00, s3;
	s21 =	sand.u32 $0x1FF00, s12;
	s20 =	simm.s32 $0x220;
	v27 =	vor.u32 v1, v18;
	v28 =	vld.idx.msk [tilespmem:v28+s4+$0x0], $0xffff  }
0xb0: {  	s24 =	simm.s32 $0x1A0;
	s23 =	sand.u32 $0x1FF00, s20;
	s18 =	simm.s32 $0x100;
	v33 =	vor.u32 v7, v25  }
0xb1: {  	s20 =	simm.s32 $0x120;
	s12 =	sor.u32 s13, s21;
	s21 =	simm.s32 $0x240;
	v16 =	vld.idx.msk [tilespmem:v16+s4+$0x0], $0xffff;
	[tilespmem:s5+$0xD000] =	vst v20  }
0xb2: {  	s7 =	sand.u32 $0x40, s16;
	s29 =	sand.u32 $0x1FF00, s21;
	s8 =	sand.u32 $0x1FF00, s17;
	v29 =	vor.u32 v1, v17;
	v20 =	vmov s25;
	v30 =	vld.idx.msk [tilespmem:v24+s4+$0x0], $0xffff  }
0xb3: {  	s21 =	simm.s32 $0x40;
	s16 =	sor.u32 s7, s8;
	s7 =	sand.u32 $0x50, s19;
	[tilespmem:s10+$0xD000] =	vst v19;
	v19 =	vor.u32 v8, v26;
	v20 =	vshll.u32 v20, $0x1  }
0xb4: {  	v32 =	vor.u32 v2, v18;
	s19 =	simm.s32 $0x180;
	s8 =	sand.u32 $0x1FF00, s24;
	s24 =	simm.s32 $0xE0;
	v27 =	vld.idx.msk [tilespmem:v27+s4+$0x0], $0xffff;
	v22 =	vand.u32 $0x7E00, v20;
	[tilespmem:s16+$0xD000] =	vst v28  }
0xb5: {  	v60 =	vor.u32 v8, v25;
	s17 =	sor.u32 s7, s23;
	s23 =	sand.u32 $0x40, s21;
	s2 =	sand.u32 $0x50, s22;
	v24 =	vbroadcast v22, $0x0;
	v22 =	vmov s18;
	v33 =	vld.idx.msk [tilespmem:v33+s4+$0x0], $0xffff  }
0xb6: {  	v35 =	vmov s19;
	s13 =	simm.s32 $0x4;
	s22 =	simm.s32 $0x80;
	s11 =	sor.u32 s2, s8;
	[tilespmem:s1+$0xD000] =	vst v16;
	v16 =	vmov s26;
	v34 =	vshll.u32 v22, $0x1  }
0xb7: {  	s8 =	sand.u32 $0x60, s20;
	s21 =	sand.u32 $0x1FF00, s22;
	s22 =	simm.s32 $0x100;
	v29 =	vld.idx.msk [tilespmem:v29+s4+$0x0], $0xffff;
	v22 =	vshll.u32 v16, $0x1;
	v16 =	vshll.u32 v35, $0x1;
	[tilespmem:s6+$0xD020] =	vst v30;
	v30 =	vor.u32 v5, v24  }
0xb8: {  	v31 =	vor.u32 v2, v17;
	s5 =	sor.u32 s8, s29;
	s25 =	simm.s32 $0x1C0;
	s29 =	sand.u32 $0x1FF00, s22;
	v16 =	vbroadcast v16, $0x0;
	v57 =	vld.idx.msk [tilespmem:v19+s4+$0x0], $0xffff  }
0xb9: {  	v26 =	vor.u32 v9, v26;
	s20 =	sand.u32 $0x1FF00, s25;
	s25 =	simm.s32 $0x120;
	[tilespmem:s10+$0xD010] =	vst v27;
	s10 =	sor.u32 s23, s21;
	v27 =	vand.u32 $0x7F00, v22;
	v19 =	vbroadcast v34, $0x0  }
0xba: {  	s16 =	sor.u32 s9, s3;
	s21 =	simm.s32 $0x190;
	v32 =	vld.idx.msk [tilespmem:v32+s4+$0x0], $0xffff;
	s26 =	simm.s32 $0x80;
	v27 =	vbroadcast v27, $0x0;
	v58 =	vor.u32 v0, v16;
	[tilespmem:s17+$0xD000] =	vst v33  }
0xbb: {  	s18 =	sand.u32 $0x60, s24;
	s24 =	simm.s32 $0x90;
	s6 =	sand.u32 $0x40, s26;
	v28 =	vor.u32 v0, v19;
	v41 =	vld.idx.msk [tilespmem:v60+s4+$0x0], $0xffff  }
0xbc: {  	s3 =	sand.u32 $0x50, s21;
	s23 =	sor.u32 s18, s20;
	s22 =	sor.u32 s6, s29;
	[tilespmem:s1+$0xD010] =	vst v29;
	v29 =	vor.u32 v5, v27;
	v30 =	vld.idx.msk [tilespmem:v30+s4+$0x0], $0xffff  }
0xbd: {  	v44 =	vor.u32 v9, v25;
	s19 =	sand.u32 $0x50, s24;
	s20 =	sand.u32 $0x1FF00, s25;
	s26 =	simm.s32 $0x320;
	v31 =	vld.idx.msk [tilespmem:v31+s4+$0x0], $0xffff;
	[tilespmem:s22+$0xD000] =	vst v57  }
0xbe: {  	s24 =	simm.s32 $0x140;
	v59 =	vor.u32 v6, v24;
	s21 =	sand.u32 $0xFF00, s26;
	s29 =	simm.s32 $0x280;
	v26 =	vld.idx.msk [tilespmem:v26+s4+$0x0], $0xffff  }
0xbf: {  	v36 =	vor.u32 v3, v17;
	s26 =	simm.s32 $0x460;
	[tilespmem:s12+$0xD000] =	vst v32;
	s12 =	sor.u32 s19, s20;
	s17 =	simm.s32 $0x1E0;
	v61 =	vld.idx.msk [tilespmem:v58+s4+$0x0], $0xffff  }
0xc0: {  	v37 =	vor.u32 v3, v18;
	s20 =	simm.s32 $0x3C0;
	s19 =	sand.u32 $0xFF00, s29;
	s29 =	sand.u32 $0x40, s24;
	v28 =	vld.idx.msk [tilespmem:v28+s4+$0x0], $0xffff  }
0xc1: {  	s24 =	simm.s32 $0x1A0;
	v62 =	vor.u32 v1, v19;
	s25 =	sand.u32 $0x60, s17;
	s22 =	sor.u32 s3, s21;
	[tilespmem:s5+$0xD000] =	vst v41;
	v29 =	vld.idx.msk [tilespmem:v29+s4+$0x0], $0xffff  }
0xc2: {  	s17 =	sand.u32 $0xFF00, s20;
	s21 =	simm.s32 $0x230;
	s3 =	sor.u32 s29, s19;
	v35 =	vld.idx.msk [tilespmem:v44+s4+$0x0], $0xffff;
	[tilespmem:s22+$0xD000] =	vst v30;
	v30 =	vor.u32 v1, v16  }
0xc3: {  	v63 =	vor.u32 v6, v27;
	s19 =	sand.u32 $0x60, s24;
	s24 =	simm.s32 $0x4E0;
	s29 =	simm.s32 $0x240;
	[tilespmem:s1+$0xD020] =	vst v31;
	v31 =	vld.idx.msk [tilespmem:v59+s4+$0x0], $0xffff  }
0xc4: {  	v38 =	vor.u32 v7, v24;
	s20 =	sand.u32 $0x70, s21;
	s21 =	sand.u32 $0xFF00, s26;
	s5 =	simm.s32 $0x420;
	v36 =	vld.idx.msk [tilespmem:v36+s4+$0x0], $0xffff;
	[tilespmem:s12+$0xD000] =	vst v26  }
0xc5: {  	v40 =	vor.u32 v4, v17;
	s12 =	sor.u32 s25, s17;
	v26 =	vld.idx.msk [tilespmem:v37+s4+$0x0], $0xffff;
	s25 =	simm.s32 $0x340;
	s17 =	sor.u32 s20, s21;
	[tilespmem:s3+$0xD000] =	vst v28  }
0xc6: {  	v42 =	vor.u32 v4, v18;
	s21 =	simm.s32 $0x400;
	s26 =	sand.u32 $0xFF00, s25;
	[tilespmem:s12+$0xD000] =	vst v61;
	s25 =	simm.s32 $0x270;
	v43 =	vld.idx.msk [tilespmem:v62+s4+$0x0], $0xffff  }
0xc7: {  	v33 =	vor.u32 v2, v19;
	v32 =	vor.u32 v7, v27;
	s19 =	sor.u32 s19, s26;
	[tilespmem:s17+$0xD000] =	vst v29;
	s26 =	sand.u32 $0x40, s29;
	s29 =	simm.s32 $0x480;
	v37 =	vld.idx.msk [tilespmem:v30+s4+$0x0], $0xffff  }
0xc8: {  	v25 =	vor.u32 v4, v19;
	v28 =	vor.u32 v3, v19;
	v39 =	vld.idx.msk [tilespmem:v63+s4+$0x0], $0xffff;
	s20 =	sand.u32 $0x1FF00, s29;
	s29 =	simm.s32 $0x250;
	[tilespmem:s19+$0xD000] =	vst v31;
	s19 =	simm.s32 $0x200  }
0xc9: {  	v29 =	vor.u32 v3, v16;
	[tilespmem:s1+$0xD030] =	vst v36;
	v31 =	vor.u32 v2, v16;
	s26 =	sor.u32 s26, s20;
	s20 =	simm.s32 $0x4A0;
	s1 =	sand.u32 $0x1FF00, s21;
	v38 =	vld.idx.msk [tilespmem:v38+s4+$0x0], $0xffff  }
0xca: {  	v30 =	vor.u32 v8, v27;
	v27 =	vor.u32 v9, v27;
	s17 =	sand.u32 $0x50, s29;
	[tilespmem:s11+$0xD000] =	vst v26;
	s19 =	sand.u32 $0x40, s19;
	v36 =	vld.idx.msk [tilespmem:v40+s4+$0x0], $0xffff;
	s29 =	sand.u32 $0x1FF00, s20  }
0xcb: {  	v26 =	vor.u32 v4, v16;
	v40 =	vor.u32 v8, v24;
	s21 =	sor.u32 s19, s1;
	v34 =	vld.idx.msk [tilespmem:v42+s4+$0x0], $0xffff;
	s17 =	sor.u32 s17, s29;
	s19 =	simm.s32 $0x2C0;
	[tilespmem:s3+$0xD010] =	vst v43  }
.LBB2_7:
0xcc: {  	s11 =	sadd.s32 $0xFFFFFF40, s19;
	s29 =	sadd.s32 $0xFFFFFF80, s19;
	s13 =	sadd.s32 $0x4, s13  }
0xcd: {  	v41 =	vmov s19;
	v33 =	vld.idx.msk [tilespmem:v33+s4+$0x0], $0xffff;
	[tilespmem:s12+$0xD010] =	vst v37;
	s12 =	smov.u32 s24;
	s20 =	smov.u32 s25;
	s1 =	smov.u32 s3  }
0xce: {  	s3 =	sadd.s32 $0xFFFFFFC0, s19;
	v37 =	vmov s11;
	v42 =	vmov s29;
	v41 =	vshll.u32 v41, $0x1;
	p1 =	slt.u32 s13, $0xCC;
	v31 =	vld.idx.msk [tilespmem:v31+s4+$0x0], $0xffff;
	[tilespmem:s26+$0xD000] =	vst v39;
	s11 =	sadd.s32 $0xFFFFFFF0, s25  }
0xcf: {  	s5 =	sand.u32 $0x1FF00, s5;
	v37 =	vshll.u32 v37, $0x1;
	v39 =	vshll.u32 v42, $0x1;
	v42 =	vmov s3;
	[tilespmem:s22+$0xD020] =	vst v38;
	s3 =	sand.u32 $0x50, s28;
	v32 =	vld.idx.msk [tilespmem:v32+s4+$0x0], $0xffff;
	s22 =	sadd.s32 $0xFFFFFFE0, s24  }
0xd0: {  	v41 =	vand.u32 $0x7F00, v41;
	v38 =	vand.u32 $0x7E00, v39;
	v39 =	vshll.u32 v42, $0x1;
	v40 =	vld.idx.msk [tilespmem:v40+s4+$0x0], $0xffff;
	s5 =	sor.u32 s3, s5;
	s3 =	sand.u32 $0x60, s11;
	s11 =	sand.u32 $0x1FF00, s22;
	[tilespmem:s10+$0xD000] =	vst v36  }
0xd1: {  	v36 =	vbroadcast v37, $0x0;
	s10 =	sadd.s32 $0xFFFFFF10, s25;
	s22 =	sadd.s32 $0xFFFFFE20, s24;
	v37 =	vbroadcast v38, $0x0;
	s11 =	sor.u32 s3, s11;
	[tilespmem:s23+$0xD000] =	vst v34  }
0xd2: {  	v24 =	vor.u32 v9, v24;
	v34 =	vbroadcast v39, $0x0;
	v38 =	vbroadcast v41, $0x0;
	s3 =	sand.u32 $0x40, s10;
	s10 =	sadd.s32 $0xFFFFFFB0, s25;
	s23 =	sadd.s32 $0xFFFFFF60, s24;
	[tilespmem:s16+$0xD000] =	vst v35  }
0xd3: {  	s26 =	sadd.s32 $0xFFFFFEA0, s24;
	v35 =	vor.u32 v0, v36;
	v39 =	vor.u32 v1, v36;
	s16 =	sand.u32 $0x1FF00, s22;
	s22 =	sadd.s32 $0xFFFFFF50, s25;
	v41 =	vor.u32 v5, v37;
	[tilespmem:s1+$0xD020] =	vst v33  }
0xd4: {  	s26 =	sand.u32 $0x1FF00, s26;
	v42 =	vor.u32 v0, v34;
	v43 =	vor.u32 v1, v34;
	v44 =	vor.u32 v5, v38;
	s22 =	sand.u32 $0x40, s22;
	[tilespmem:s21+$0xD000] =	vst v31;
	s21 =	sand.u32 $0x60, s10  }
0xd5: {  	s23 =	sand.u32 $0x1FF00, s23;
	v33 =	vor.u32 v2, v36;
	v45 =	vor.u32 v6, v38;
	v31 =	vor.u32 v2, v34;
	s22 =	sor.u32 s22, s26;
	[tilespmem:s17+$0xD000] =	vst v32;
	s17 =	sand.u32 $0x70, s25  }
0xd6: {  	v46 =	vor.u32 v3, v36;
	v47 =	vor.u32 v3, v34;
	s10 =	sor.u32 s3, s16;
	s3 =	sand.u32 $0x1FF00, s24;
	v32 =	vor.u32 v7, v38;
	s23 =	sor.u32 s21, s23;
	[tilespmem:s22+$0xD000] =	vst v40  }
0xd7: {  	v48 =	vor.u32 v4, v34;
	v34 =	vor.u32 v8, v38;
	v40 =	vor.u32 v4, v36;
	s16 =	sor.u32 s17, s3;
	v36 =	vld.idx.msk [tilespmem:v24+s4+$0x0], $0xffff  }
0xd8: {  	s12 =	sadd.s32 $0xFFFFFEC0, s12;
	v49 =	vor.u32 v9, v38;
	v24 =	vmov v37;
	v41 =	vld.idx.msk [tilespmem:v41+s4+$0x0], $0xffff  }
0xd9: {  	s12 =	sand.u32 $0x1FF00, s12;
	s24 =	sadd.s32 $0x280, s24;
	s25 =	sadd.s32 $0x140, s25;
	v35 =	vld.idx.msk [tilespmem:v35+s4+$0x0], $0xffff  }
0xda: {  	s21 =	sadd.s32 $0xFFFFFF80, s24;
	s3 =	sadd.s32 $0xFFFFFF20, s25;
	s17 =	sadd.s32 $0xFFFFFF60, s20;
	v37 =	vor.u32 v6, v24;
	v38 =	vld.idx.msk [tilespmem:v42+s4+$0x0], $0xffff  }
0xdb: {  	s20 =	sadd.s32 $0xFFFFFE40, s24;
	s26 =	sadd.s32 $0xFFFFFED0, s25;
	s17 =	sand.u32 $0x50, s17;
	v42 =	vld.idx.msk [tilespmem:v44+s4+$0x0], $0xffff  }
0xdc: {  	s3 =	sand.u32 $0x50, s3;
	s20 =	sand.u32 $0xFF00, s20;
	s12 =	sor.u32 s17, s12;
	v44 =	vld.idx.msk [tilespmem:v28+s4+$0x0], $0xffff;
	v28 =	vmov v46  }
0xdd: {  	s17 =	sadd.s32 $0xFFFFFDA0, s24;
	s22 =	sor.u32 s3, s20;
	s3 =	sadd.s32 $0xFFFFFF70, s25;
	[tilespmem:s12+$0xD000] =	vst v36;
	v46 =	vld.idx.msk [tilespmem:v29+s4+$0x0], $0xffff;
	v29 =	vmov v47  }
0xde: {  	s20 =	sadd.s32 $0xFFFFFFC0, s25;
	s17 =	sand.u32 $0xFF00, s17;
	s12 =	sadd.s32 $0xFFFFFEE0, s24;
	[tilespmem:s22+$0xD000] =	vst v41;
	v41 =	vld.idx.msk [tilespmem:v30+s4+$0x0], $0xffff;
	v30 =	vmov v34  }
0xdf: {  	s28 =	sand.u32 $0x60, s3;
	s3 =	sand.u32 $0x40, s26;
	s20 =	sand.u32 $0x70, s20;
	v34 =	vld.idx.msk [tilespmem:v37+s4+$0x0], $0xffff  }
0xe0: {  	s26 =	sadd.s32 $0xFFFFFE60, s24;
	s3 =	sor.u32 s3, s17;
	s12 =	sand.u32 $0xFF00, s12  }
0xe1: {  	s17 =	sand.u32 $0xFF00, s21;
	s21 =	sadd.s32 $0xFFFFFF30, s25;
	v36 =	vor.u32 v7, v24;
	s12 =	sor.u32 s28, s12  }
0xe2: {  	s17 =	sor.u32 s20, s17;
	s20 =	sand.u32 $0x60, s21;
	s21 =	sand.u32 $0xFF00, s26;
	[tilespmem:s3+$0xD000] =	vst v35  }
0xe3: {  	s26 =	sadd.s32 $0xFFFFFFD0, s25;
	s20 =	sor.u32 s20, s21;
	s21 =	sadd.s32 $0xFFFFFFA0, s24;
	v35 =	vld.idx.msk [tilespmem:v39+s4+$0x0], $0xffff;
	[tilespmem:s12+$0xD000] =	vst v38  }
0xe4: {  	s21 =	sand.u32 $0x1FF00, s21;
	v37 =	vld.idx.msk [tilespmem:v43+s4+$0x0], $0xffff;
	[tilespmem:s17+$0xD000] =	vst v42;
	s17 =	sand.u32 $0x40, s26  }
.Ltmp2:
0xe5: {  	s28 =	sadd.s32 $0xFFFFFF20, s24;
	[tilespmem:s20+$0xD000] =	vst v34;
	s20 =	sadd.s32 $0xFFFFFF90, s25;
	v39 =	vld.idx.msk [tilespmem:v45+s4+$0x0], $0xffff;
	(pc) =	sbr.rel @p1 .LBB2_7-.Ltmp2, $4  }
0xe6: {  	s29 =	sadd.s32 $0xFFFFFFC0, s24;
	s26 =	sor.u32 s17, s21;
	s17 =	sadd.s32 $0xFFFFFFE0, s25;
	v38 =	vld.idx.msk [tilespmem:v36+s4+$0x0], $0xffff;
	[tilespmem:s1+$0xD030] =	vst v44  }
0xe7: {  	s1 =	sand.u32 $0x40, s20;
	s20 =	sand.u32 $0x1FF00, s28;
	s17 =	sand.u32 $0x50, s17;
	v36 =	vld.idx.msk [tilespmem:v25+s4+$0x0], $0xffff;
	[tilespmem:s5+$0xD000] =	vst v46;
	v25 =	vmov v40  }
0xe8: {  	s28 =	sadd.s32 $0xFFFFFFA0, s25;
	v40 =	vor.u32 v8, v24;
	s21 =	sor.u32 s1, s20;
	s1 =	sand.u32 $0x1FF00, s29;
	v34 =	vld.idx.msk [tilespmem:v26+s4+$0x0], $0xffff;
	[tilespmem:s11+$0xD000] =	vst v41;
	v26 =	vmov v48  }
0xe9: {  	s19 =	sadd.s32 $0x100, s19;
	s5 =	sadd.s32 $0xFFFFFF40, s24;
	s17 =	sor.u32 s17, s1;
	[tilespmem:s3+$0xD010] =	vst v35;
	v35 =	vld.idx.msk [tilespmem:v27+s4+$0x0], $0xffff;
	v27 =	vmov v49  }
0xea: {  	_ =	sdelay $0x3  }
0xeb: {  	v33 =	vld.idx.msk [tilespmem:v33+s4+$0x0], $0xffff;
	[tilespmem:s12+$0xD010] =	vst v37  }
0xec: {  	[tilespmem:s26+$0xD000] =	vst v39;
	v31 =	vld.idx.msk [tilespmem:v31+s4+$0x0], $0xffff  }
0xed: {  	v32 =	vld.idx.msk [tilespmem:v32+s4+$0x0], $0xffff;
	_ =	sdelay $0x1  }
0xee: {  	[tilespmem:s22+$0xD020] =	vst v38  }
0xef: {  	v60 =	vld.idx.msk [tilespmem:v40+s4+$0x0], $0xffff;
	[tilespmem:s3+$0xD020] =	vst v33  }
0xf0: {  	v24 =	vor.u32 v9, v24;
	[tilespmem:s21+$0xD000] =	vst v31;
	v28 =	vld.idx.msk [tilespmem:v28+s4+$0x0], $0xffff  }
0xf1: {  	s1 =	sadd.s32 $0xFFFFFF50, s25;
	s11 =	sadd.s32 $0xFFFFFEA0, s24;
	[tilespmem:s17+$0xD000] =	vst v32;
	v29 =	vld.idx.msk [tilespmem:v29+s4+$0x0], $0xffff  }
0xf2: {  	s1 =	sand.u32 $0x40, s1;
	s11 =	sand.u32 $0x1FF00, s11;
	v30 =	vld.idx.msk [tilespmem:v30+s4+$0x0], $0xffff  }
0xf3: {  	s29 =	sadd.s32 $0xFFFFFFF0, s25;
	[tilespmem:s10+$0xD000] =	vst v36;
	s1 =	sor.u32 s1, s11  }
0xf4: {  	s5 =	sand.u32 $0x1FF00, s5;
	s13 =	sadd.s32 $0xFFFFFFE0, s24;
	s11 =	sand.u32 $0x50, s28;
	[tilespmem:s1+$0xD000] =	vst v60  }
0xf5: {  	s19 =	sand.u32 $0x60, s29;
	s20 =	sand.u32 $0x1FF00, s13;
	s17 =	sor.u32 s11, s5;
	v31 =	vld.idx.msk [tilespmem:v24+s4+$0x0], $0xffff;
	[tilespmem:s3+$0xD030] =	vst v28  }
0xf6: {  	s12 =	sadd.s32 $0xFFFFFFB0, s25;
	s22 =	sadd.s32 $0xFFFFFE20, s24;
	s5 =	sor.u32 s19, s20;
	v25 =	vld.idx.msk [tilespmem:v25+s4+$0x0], $0xffff;
	[tilespmem:s17+$0xD000] =	vst v29  }
0xf7: {  	s29 =	sadd.s32 $0xFFFFFEC0, s24;
	s13 =	sadd.s32 $0xFFFFFF60, s24;
	s28 =	sadd.s32 $0xFFFFFF60, s25;
	[tilespmem:s5+$0xD000] =	vst v30;
	v26 =	vld.idx.msk [tilespmem:v26+s4+$0x0], $0xffff  }
0xf8: {  	s10 =	sand.u32 $0x1FF00, s29;
	[tilespmem:s23+$0xD000] =	vst v34;
	s21 =	sadd.s32 $0xFFFFFF10, s25;
	s3 =	sand.u32 $0x50, s28;
	v27 =	vld.idx.msk [tilespmem:v27+s4+$0x0], $0xffff  }
0xf9: {  	[tilespmem:s16+$0xD000] =	vst v35;
	s11 =	sand.u32 $0x1FF00, s22;
	s26 =	sand.u32 $0x40, s21;
	v24 =	vbroadcast v21, $0x0;
	v28 =	vor.u32 v11, v18;
	s3 =	sor.u32 s3, s10  }
0xfa: {  	s1 =	sor.u32 s26, s11;
	v21 =	vbroadcast v23, $0x0;
	v23 =	vor.u32 v11, v17;
	s5 =	sand.u32 $0x60, s12;
	s17 =	sand.u32 $0x1FF00, s13;
	[tilespmem:s3+$0xD000] =	vst v31  }
0xfb: {  	s19 =	sand.u32 $0x70, s25;
	s20 =	sand.u32 $0x1FF00, s24;
	s5 =	sor.u32 s5, s17;
	[tilespmem:s1+$0xD000] =	vst v25;
	v25 =	vor.u32 v5, v24  }
0xfc: {  	p2 =	por $0x0, $0x0;
	s21 =	sor.u32 s19, s20;
	[tilespmem:s5+$0xD000] =	vst v26  }
0xfd: {  	p1 =	por $0x1, $0x1;
	s23 =	simm.s32 $0x140;
	s22 =	simm.s32 $0x4;
	v26 =	vor.u32 v5, v21;
	[tilespmem:s21+$0xD000] =	vst v27  }
0xfe: {  	s24 =	simm.s32 $0xA0;
	s25 =	simm.s32 $0x1E0;
	s3 =	simm.s32 $0x1;
	v27 =	vld.idx.msk [tilespmem:v28+s4+$0x0], $0xffff  }
0xff: {  	s20 =	simm.s32 $0x180;
	s26 =	simm.s32 $0xC0;
	s3 =	simm.s32 @!p2 $0x0;
	v23 =	vld.idx.msk [tilespmem:v23+s4+$0x0], $0xffff;
	v28 =	vor.u32 v12, v18  }
0x100: {  	s28 =	sand.u32 $0xFF00, s26;
	s26 =	simm.s32 $0x90;
	v29 =	vor.u32 v12, v17;
	s3 =	sshll.u32 s3, $0x6;
	v25 =	vld.idx.msk [tilespmem:v25+s4+$0x0], $0xffff  }
0x101: {  	v30 =	vor.u32 v6, v24;
	s10 =	sand.u32 $0xFF00, s24;
	s3 =	sadd.s32 $0x140, s3;
	s1 =	sand.u32 $0xFF00, s23  }
0x102: {  	s12 =	sand.u32 $0xFF00, s25;
	s11 =	sadd.s32 $0xFFFFFEC0, s3;
	s1 =	sor.u32 s31, s1;
	v26 =	vld.idx.msk [tilespmem:v26+s4+$0x0], $0xffff  }
0x103: {  	s0 =	sor.u32 s0, s12;
	s13 =	sor.u32 $0x80, s11;
	s16 =	rddreg [dreg:$0x10];
	[tilespmem:s1+$0xD080] =	vst v27  }
0x104: {  	v31 =	vor.u32 v6, v21;
	s12 =	sor.u32 s30, s28;
	s30 =	simm.s32 $0x220;
	s10 =	sor.u32 s16, s10;
	[tilespmem:s13+$0xD000] =	vst v23;
	v27 =	vld.idx.msk [tilespmem:v28+s4+$0x0], $0xffff  }
0x105: {  	s28 =	simm.s32 $0x120;
	p2 =	por !p2, !p2;
	s3 =	sadd.s32 $0xC0, s3;
	v23 =	vor.u32 v13, v18;
	v28 =	vld.idx.msk [tilespmem:v29+s4+$0x0], $0xffff;
	[tilespmem:s10+$0xD080] =	vst v25  }
0x106: {  	s23 =	sand.u32 $0x1FF00, s20;
	s5 =	sand.u32 $0x7, s22;
	s29 =	sor.u32 $0x90, s11;
	v25 =	vor.u32 v13, v17;
	v29 =	vld.idx.msk [tilespmem:v30+s4+$0x0], $0xffff  }
0x107: {  	s3 =	sor.u32 $0x80, s3;
	s31 =	sand.u32 $0x1FF00, s30;
	s22 =	simm.s32 $0x240;
	[tilespmem:s0+$0xD080] =	vst v26;
	v26 =	vor.u32 v7, v24  }
0x108: {  	s30 =	simm.s32 $0x260;
	s5 =	sshll.u32 s5, $0x4;
	s19 =	sor.u32 s7, s31  }
0x109: {  	s24 =	sand.u32 $0x1FF00, s22;
	s5 =	sadd.s32 $0x140, s5;
	s16 =	sor.u32 $0xA0, s11;
	v30 =	vld.idx.msk [tilespmem:v31+s4+$0x0], $0xffff;
	[tilespmem:s1+$0xD090] =	vst v27  }
0x10a: {  	s5 =	sadd.s32 $0xFFFFFF70, s5;
	s10 =	simm.s32 $0x100;
	v31 =	vor.u32 v7, v21;
	s25 =	rddreg [dreg:$0x11];
	v23 =	vld.idx.msk [tilespmem:v23+s4+$0x0], $0xffff;
	[tilespmem:s29+$0xD000] =	vst v28  }
0x10b: {  	s17 =	sor.u32 $0xA0, s5;
	s5 =	sor.u32 $0xB0, s11;
	s21 =	sand.u32 $0x1FF00, s10;
	v27 =	vor.u32 v14, v18;
	v25 =	vld.idx.msk [tilespmem:v25+s4+$0x0], $0xffff;
	[tilespmem:s12+$0xD080] =	vst v29  }
0x10c: {  	s0 =	simm.s32 $0x4;
	s10 =	sor.u32 s8, s24;
	s11 =	sor.u32 s6, s21;
	v28 =	vor.u32 v14, v17;
	v26 =	vld.idx.msk [tilespmem:v26+s4+$0x0], $0xffff  }
0x10d: {  	s6 =	sand.u32 $0x50, s26;
	s21 =	sand.u32 $0x1FF00, s30;
	s30 =	simm.s32 $0x230;
	v29 =	vor.u32 v8, v24  }
0x10e: {  	v61 =	vbroadcast v20, $0x0;
	v20 =	vor.u32 v11, v16;
	s1 =	sand.u32 $0x1FF00, s28;
	s29 =	simm.s32 $0x1A0;
	s20 =	sor.u32 s25, s23;
	[tilespmem:s3+$0xD000] =	vst v30  }
0x10f: {  	v62 =	vbroadcast v22, $0x0;
	v22 =	vor.u32 v11, v19;
	s28 =	simm.s32 $0x190;
	s7 =	sand.u32 $0x1FF00, s29;
	s25 =	simm.s32 $0x1E0;
	v30 =	vld.idx.msk [tilespmem:v31+s4+$0x0], $0xffff;
	[tilespmem:s20+$0xD080] =	vst v23  }
0x110: {  	s29 =	simm.s32 $0x320;
	s31 =	sor.u32 s2, s7;
	s7 =	simm.s32 $0x8;
	v31 =	vor.u32 v8, v21;
	v23 =	vld.idx.msk [tilespmem:v27+s4+$0x0], $0xffff;
	[tilespmem:s16+$0xD000] =	vst v25  }
0x111: {  	s2 =	simm.s32 $0x1;
	s3 =	sor.u32 s6, s1;
	s1 =	sor.u32 s9, s21;
	v25 =	vld.idx.msk [tilespmem:v28+s4+$0x0], $0xffff;
	[tilespmem:s17+$0xD000] =	vst v26;
	v26 =	vor.u32 v5, v61  }
0x112: {  	s6 =	simm.s32 $0x1;
	s22 =	sand.u32 $0x7, s7;
	s2 =	simm.s32 @!p1 $0x0;
	v28 =	vor.u32 v5, v62;
	v27 =	vld.idx.msk [tilespmem:v29+s4+$0x0], $0xffff  }
0x113: {  	v20 =	vld.idx.msk [tilespmem:v20+s4+$0x0], $0xffff;
	v18 =	vor.u32 v15, v18;
	s9 =	simm.s32 $0x1C0;
	s6 =	simm.s32 @!p2 $0x0;
	s12 =	sshll.u32 s22, $0x4  }
0x114: {  	v22 =	vld.idx.msk [tilespmem:v22+s4+$0x0], $0xffff;
	v24 =	vor.u32 v9, v24;
	s8 =	sshll.u32 s2, $0x6;
	s24 =	sand.u32 $0x1FF00, s9;
	s2 =	simm.s32 $0x270;
	[tilespmem:s19+$0xD080] =	vst v30  }
0x115: {  	s22 =	sand.u32 $0x50, s28;
	s23 =	sshll.u32 s6, $0x6;
	s6 =	simm.s32 $0x3C0;
	v30 =	vor.u32 v12, v19;
	v29 =	vld.idx.msk [tilespmem:v31+s4+$0x0], $0xffff;
	[tilespmem:s31+$0xD080] =	vst v23  }
0x116: {  	s16 =	sadd.s32 $0x3C0, s23;
	s26 =	sand.u32 $0xFF00, s6;
	s17 =	sand.u32 $0x60, s25;
	v23 =	vor.u32 v12, v16;
	[tilespmem:s5+$0xD000] =	vst v25;
	v25 =	vld.idx.msk [tilespmem:v26+s4+$0x0], $0xffff  }
0x117: {  	s28 =	simm.s32 $0x340;
	s17 =	sor.u32 s17, s26;
	s5 =	sadd.s32 $0xFFFFFEC0, s16;
	v26 =	vor.u32 v6, v61;
	[tilespmem:s11+$0xD080] =	vst v27;
	v27 =	vld.idx.msk [tilespmem:v28+s4+$0x0], $0xffff  }
0x118: {  	s18 =	sor.u32 s18, s24;
	s21 =	sadd.s32 $0x3C0, s12;
	[tilespmem:s17+$0xD080] =	vst v20;
	v18 =	vld.idx.msk [tilespmem:v18+s4+$0x0], $0xffff;
	s24 =	sor.u32 $0x80, s5;
	v28 =	vor.u32 v6, v62  }
0x119: {  	s23 =	sand.u32 $0xFF00, s29;
	s19 =	sand.u32 $0x70, s30;
	s31 =	simm.s32 $0x460;
	[tilespmem:s24+$0xD000] =	vst v22;
	v24 =	vld.idx.msk [tilespmem:v24+s4+$0x0], $0xffff  }
0x11a: {  	v21 =	vor.u32 v9, v21;
	s26 =	simm.s32 $0x1A0;
	s25 =	sand.u32 $0xFF00, s31;
	s11 =	sor.u32 s22, s23;
	[tilespmem:s10+$0xD080] =	vst v29;
	v30 =	vld.idx.msk [tilespmem:v30+s4+$0x0], $0xffff  }
0x11b: {  	v17 =	vor.u32 v15, v17;
	s30 =	sand.u32 $0xFF00, s28;
	s28 =	simm.s32 $0x260;
	s13 =	sor.u32 s19, s25;
	v23 =	vld.idx.msk [tilespmem:v23+s4+$0x0], $0xffff;
	[tilespmem:s11+$0xD080] =	vst v25  }
0x11c: {  	s29 =	sand.u32 $0x60, s26;
	s26 =	simm.s32 $0x380;
	s16 =	sadd.s32 $0xC0, s16;
	v29 =	vor.u32 v13, v16;
	v31 =	vld.idx.msk [tilespmem:v26+s4+$0x0], $0xffff;
	[tilespmem:s13+$0xD080] =	vst v27  }
0x11d: {  	s31 =	sor.u32 $0x90, s5;
	s19 =	sor.u32 $0x80, s16;
	s12 =	sor.u32 $0xA0, s5;
	[tilespmem:s18+$0xD080] =	vst v18;
	v25 =	vor.u32 v13, v19;
	v28 =	vld.idx.msk [tilespmem:v28+s4+$0x0], $0xffff  }
0x11e: {  	s25 =	simm.s32 $0x1C0;
	s16 =	sand.u32 $0x1FF00, s26;
	s22 =	simm.s32 $0x250;
	v27 =	vor.u32 v7, v61;
	[tilespmem:s3+$0xD080] =	vst v24  }
0x11f: {  	v63 =	vor.u32 v7, v62;
	s23 =	simm.s32 $0x4A0;
	s10 =	sor.u32 s29, s30;
	s24 =	sand.u32 $0x50, s22;
	v35 =	vld.idx.msk [tilespmem:v21+s4+$0x0], $0xffff;
	[tilespmem:s31+$0xD000] =	vst v30  }
0x120: {  	v20 =	vld.idx.msk [tilespmem:v17+s4+$0x0], $0xffff;
	s29 =	simm.s32 $0x4C0;
	s30 =	simm.s32 $0x200;
	s11 =	sadd.s32 $0xFFFFFF70, s21;
	[tilespmem:s17+$0xD090] =	vst v23  }
0x121: {  	s18 =	sand.u32 $0x1FF00, s29;
	s13 =	sand.u32 $0x1FF00, s23;
	s11 =	sor.u32 $0xA0, s11;
	v26 =	vld.idx.msk [tilespmem:v29+s4+$0x0], $0xffff;
	[tilespmem:s10+$0xD080] =	vst v31  }
0x122: {  	v17 =	vor.u32 v15, v19;
	s3 =	sor.u32 s24, s13;
	s13 =	sand.u32 $0x40, s25;
	s31 =	simm.s32 $0x400;
	v25 =	vld.idx.msk [tilespmem:v25+s4+$0x0], $0xffff;
	[tilespmem:s19+$0xD000] =	vst v28;
	v28 =	vor.u32 v14, v16  }
0x123: {  	v22 =	vor.u32 v14, v19;
	v21 =	vor.u32 v8, v62;
	v18 =	vor.u32 v9, v61;
	s17 =	sand.u32 $0x60, s28;
	s20 =	sand.u32 $0x1FF00, s31;
	s10 =	sand.u32 $0x40, s30;
	v27 =	vld.idx.msk [tilespmem:v27+s4+$0x0], $0xffff  }
0x124: {  	v19 =	vor.u32 v9, v62;
	v23 =	vor.u32 v8, v61;
	[tilespmem:s1+$0xD080] =	vst v35;
	s1 =	sor.u32 $0xB0, s5;
	s5 =	sor.u32 s10, s20;
	s10 =	simm.s32 $0x2C0;
	v24 =	vld.idx.msk [tilespmem:v63+s4+$0x0], $0xffff  }
.LBB2_9:
0x125: {  	s19 =	sadd.s32 $0xFFFFFF40, s10;
	s20 =	sadd.s32 $0xFFFFFFC0, s10  }
0x126: {  	v29 =	vmov s10;
	s0 =	sadd.s32 $0x4, s0;
	[tilespmem:s5+$0xD080] =	vst v26;
	s5 =	sadd.s32 $0xFFFFFF80, s10;
	s13 =	sor.u32 s13, s16  }
0x127: {  	s16 =	sor.u32 s17, s18;
	s8 =	sadd.s32 s8, s9;
	v26 =	vmov s19;
	v30 =	vmov s20;
	v29 =	vshll.u32 v29, $0x1;
	p3 =	slt.u32 s0, $0xCC;
	v28 =	vld.idx.msk [tilespmem:v28+s4+$0x0], $0xffff  }
0x128: {  	s9 =	sadd.s32 $0xFFFFFFE0, s6;
	s17 =	sadd.s32 $0x60, s6;
	v31 =	vmov s5;
	s5 =	sadd.s32 $0xFFFFFF60, s2;
	v26 =	vshll.u32 v26, $0x1;
	v30 =	vshll.u32 v30, $0x1  }
0x129: {  	s7 =	sadd.s32 $0x4, s7;
	s8 =	sadd.s32 $0xFFFFFEC0, s8;
	v31 =	vshll.u32 v31, $0x1;
	[tilespmem:s12+$0xD000] =	vst v25;
	v25 =	vor.u32 v15, v16;
	v16 =	vbroadcast v30, $0x0;
	s12 =	sadd.s32 $0x120, s6  }
0x12a: {  	p1 =	por !p1, !p1;
	s5 =	sand.u32 $0x50, s5;
	v26 =	vbroadcast v26, $0x0;
	v30 =	vbroadcast v31, $0x0;
	v31 =	vld.idx.msk [tilespmem:v22+s4+$0x0], $0xffff;
	[tilespmem:s11+$0xD000] =	vst v27;
	s11 =	sadd.s32 $0xFFFFFFA0, s2  }
0x12b: {  	s9 =	sand.u32 $0x1FF00, s9;
	s17 =	sand.u32 $0x1FF00, s17;
	v29 =	vbroadcast v29, $0x0;
	v27 =	vor.u32 v11, v16;
	v32 =	vld.idx.msk [tilespmem:v23+s4+$0x0], $0xffff;
	s11 =	sand.u32 $0x50, s11;
	[tilespmem:s3+$0xD080] =	vst v24  }
0x12c: {  	s12 =	sand.u32 $0x1FF00, s12;
	v33 =	vor.u32 v11, v26;
	v34 =	vor.u32 v12, v26;
	v35 =	vor.u32 v5, v30;
	s11 =	sor.u32 s11, s17;
	v36 =	vld.idx.msk [tilespmem:v21+s4+$0x0], $0xffff;
	s17 =	sand.u32 $0x70, s2  }
0x12d: {  	s8 =	sor.u32 $0x80, s8;
	v38 =	vor.u32 v5, v29;
	v39 =	vor.u32 v6, v29;
	v37 =	vor.u32 v6, v30;
	s3 =	sor.u32 s5, s9;
	[tilespmem:s11+$0xD080] =	vst v28;
	s5 =	sor.u32 s17, s12  }
0x12e: {  	p2 =	por !p2, !p2;
	v40 =	vor.u32 v13, v26;
	v41 =	vor.u32 v7, v30;
	v24 =	vor.u32 v7, v29;
	s9 =	sand.u32 $0x7, s7;
	s12 =	simm.s32 $0x1;
	v25 =	vld.idx.msk [tilespmem:v25+s4+$0x0], $0xffff  }
0x12f: {  	v22 =	vor.u32 v14, v26;
	v23 =	vor.u32 v8, v30;
	v21 =	vor.u32 v8, v29;
	s17 =	simm.s32 $0x1;
	s11 =	sshll.u32 s9, $0x4;
	s12 =	simm.s32 @!p1 $0x0;
	[tilespmem:s8+$0xD000] =	vst v20  }
0x130: {  	v26 =	vor.u32 v15, v26;
	v28 =	vor.u32 v9, v30;
	s9 =	sadd.s32 $0x80, s6;
	s17 =	simm.s32 @!p2 $0x0;
	s8 =	sshll.u32 s12, $0x6;
	v27 =	vld.idx.msk [tilespmem:v27+s4+$0x0], $0xffff;
	[tilespmem:s1+$0xD000] =	vst v31  }
0x131: {  	v29 =	vor.u32 v9, v29;
	s6 =	sadd.s32 $0x280, s6;
	s12 =	sadd.s32 $0xFFFFFFB0, s2;
	s1 =	sshll.u32 s17, $0x6;
	v30 =	vld.idx.msk [tilespmem:v33+s4+$0x0], $0xffff;
	[tilespmem:s13+$0xD080] =	vst v32  }
0x132: {  	s2 =	sadd.s32 $0x140, s2;
	s12 =	sand.u32 $0x60, s12;
	v32 =	vor.u32 v12, v16;
	s13 =	sand.u32 $0x1FF00, s9;
	v31 =	vld.idx.msk [tilespmem:v35+s4+$0x0], $0xffff;
	[tilespmem:s16+$0xD080] =	vst v36  }
0x133: {  	s19 =	sadd.s32 $0xA0, s6;
	s16 =	sadd.s32 $0xFFFFFF70, s2;
	s12 =	sor.u32 s12, s13;
	v33 =	vld.idx.msk [tilespmem:v38+s4+$0x0], $0xffff  }
0x134: {  	s13 =	sadd.s32 s6, s1;
	s1 =	sand.u32 $0x60, s16;
	s16 =	sand.u32 $0xFF00, s6;
	v20 =	vld.idx.msk [tilespmem:v17+s4+$0x0], $0xffff;
	[tilespmem:s12+$0xD080] =	vst v25;
	v17 =	vmov v26  }
0x135: {  	s17 =	sadd.s32 $0xFFFFFF60, s6;
	s12 =	sadd.s32 $0xFFFFFF20, s2;
	s16 =	sor.u32 s1, s16;
	v25 =	vld.idx.msk [tilespmem:v18+s4+$0x0], $0xffff;
	v18 =	vmov v28  }
0x136: {  	s18 =	sadd.s32 $0xFFFFFFC0, s2;
	s17 =	sand.u32 $0xFF00, s17;
	s1 =	sadd.s32 $0xFFFFFEC0, s13;
	[tilespmem:s16+$0xD080] =	vst v27;
	v27 =	vld.idx.msk [tilespmem:v19+s4+$0x0], $0xffff;
	v19 =	vmov v29  }
0x137: {  	s18 =	sand.u32 $0x70, s18;
	s13 =	sadd.s32 $0xC0, s13;
	s12 =	sand.u32 $0x50, s12;
	v26 =	vld.idx.msk [tilespmem:v32+s4+$0x0], $0xffff  }
0x138: {  	s20 =	sor.u32 $0x80, s1;
	s12 =	sor.u32 s12, s17;
	s17 =	sand.u32 $0xFF00, s19  }
0x139: {  	v28 =	vor.u32 v13, v16;
	s19 =	sadd.s32 $0xFFFFFF30, s2;
	s17 =	sor.u32 s18, s17;
	[tilespmem:s20+$0xD000] =	vst v30;
	s20 =	sadd.s32 $0xFFFFFF80, s6  }
0x13a: {  	v29 =	vld.idx.msk [tilespmem:v34+s4+$0x0], $0xffff;
	[tilespmem:s12+$0xD080] =	vst v31;
	s12 =	sand.u32 $0x60, s19;
	s18 =	sand.u32 $0xFF00, s20;
	s19 =	sor.u32 $0x90, s1  }
0x13b: {  	s20 =	sor.u32 $0x80, s13;
	s13 =	sadd.s32 $0xE0, s6;
	v30 =	vld.idx.msk [tilespmem:v37+s4+$0x0], $0xffff;
	s18 =	sor.u32 s12, s18;
	[tilespmem:s17+$0xD080] =	vst v33  }
0x13c: {  	s11 =	sadd.s32 s6, s11;
	s12 =	sadd.s32 $0xFFFFFFE0, s2;
	s13 =	sand.u32 $0x1FF00, s13;
	v31 =	vld.idx.msk [tilespmem:v39+s4+$0x0], $0xffff;
	[tilespmem:s3+$0xD080] =	vst v25  }
0x13d: {  	s17 =	sadd.s32 $0xFFFFFFF0, s2;
	s3 =	sadd.s32 $0xFFFFFF70, s11;
	[tilespmem:s16+$0xD090] =	vst v26;
	s16 =	sand.u32 $0x50, s12  }
0x13e: {  	s12 =	sor.u32 $0xA0, s1;
	s11 =	sor.u32 $0xA0, s3;
	v26 =	vld.idx.msk [tilespmem:v28+s4+$0x0], $0xffff;
	s3 =	sor.u32 s16, s13;
	[tilespmem:s5+$0xD080] =	vst v27  }
.Ltmp3:
0x13f: {  	s5 =	sadd.s32 $0xFFFFFF50, s2;
	s16 =	sadd.s32 $0xFFFFFFC0, s6;
	(pc) =	sbr.rel @p3 .LBB2_9-.Ltmp3, $4  }
0x140: {  	v28 =	vor.u32 v14, v16;
	s13 =	sand.u32 $0x40, s5;
	s16 =	sand.u32 $0x1FF00, s16;
	s5 =	sadd.s32 $0x100, s6;
	[tilespmem:s19+$0xD000] =	vst v29  }
0x141: {  	s17 =	sand.u32 $0x60, s17;
	s19 =	sadd.s32 $0x40, s6;
	v25 =	vld.idx.msk [tilespmem:v40+s4+$0x0], $0xffff;
	[tilespmem:s18+$0xD080] =	vst v30;
	s18 =	sadd.s32 $0xFFFFFF90, s2  }
0x142: {  	s19 =	sand.u32 $0x1FF00, s19;
	v27 =	vld.idx.msk [tilespmem:v41+s4+$0x0], $0xffff;
	s21 =	sand.u32 $0x40, s18;
	[tilespmem:s20+$0xD000] =	vst v31;
	s18 =	sand.u32 $0x1FF00, s5  }
0x143: {  	s10 =	sadd.s32 $0x100, s10;
	s1 =	sor.u32 $0xB0, s1;
	s5 =	sor.u32 s21, s19;
	v24 =	vld.idx.msk [tilespmem:v24+s4+$0x0], $0xffff  }
0x144: {  	_ =	sdelay $0x2  }
0x145: {  	[tilespmem:s5+$0xD080] =	vst v26  }
0x146: {  	v26 =	vld.idx.msk [tilespmem:v28+s4+$0x0], $0xffff;
	[tilespmem:s11+$0xD000] =	vst v27  }
0x147: {  	v16 =	vor.u32 v15, v16;
	v23 =	vld.idx.msk [tilespmem:v23+s4+$0x0], $0xffff  }
0x148: {  	s0 =	sadd.s32 $0xFFFFFFA0, s2;
	s11 =	sadd.s32 $0x60, s6  }
0x149: {  	s0 =	sand.u32 $0x50, s0;
	[tilespmem:s3+$0xD080] =	vst v24;
	s3 =	sand.u32 $0x1FF00, s11  }
0x14a: {  	s7 =	sadd.s32 $0xFFFFFF60, s2;
	s10 =	sor.u32 s17, s18;
	[tilespmem:s12+$0xD000] =	vst v25;
	v21 =	vld.idx.msk [tilespmem:v21+s4+$0x0], $0xffff;
	s0 =	sor.u32 s0, s3  }
0x14b: {  	s17 =	sadd.s32 $0x120, s6;
	s12 =	sor.u32 s13, s16;
	s13 =	sadd.s32 s8, s9;
	v22 =	vld.idx.msk [tilespmem:v22+s4+$0x0], $0xffff;
	[tilespmem:s0+$0xD080] =	vst v26  }
0x14c: {  	s21 =	sand.u32 $0x70, s2;
	p1 =	por !p1, !p1;
	s18 =	sadd.s32 $0xFFFFFEC0, s13;
	v16 =	vld.idx.msk [tilespmem:v16+s4+$0x0], $0xffff;
	[tilespmem:s12+$0xD080] =	vst v23  }
0x14d: {  	s22 =	sadd.s32 $0x80, s6;
	s23 =	sadd.s32 $0xFFFFFFB0, s2;
	s0 =	sor.u32 $0x80, s18;
	v18 =	vld.idx.msk [tilespmem:v18+s4+$0x0], $0xffff  }
0x14e: {  	s19 =	sand.u32 $0x50, s7;
	s2 =	sand.u32 $0x60, s23;
	s26 =	sand.u32 $0x1FF00, s17;
	[tilespmem:s0+$0xD000] =	vst v20  }
0x14f: {  	s16 =	sadd.s32 $0xFFFFFFE0, s6;
	s8 =	simm.s32 $0x1;
	s6 =	sand.u32 $0x1FF00, s22;
	[tilespmem:s10+$0xD080] =	vst v21  }
0x150: {  	s20 =	sand.u32 $0x1FF00, s16;
	s8 =	simm.s32 @!p1 $0x0;
	s2 =	sor.u32 s2, s6;
	[tilespmem:s1+$0xD000] =	vst v22;
	v19 =	vld.idx.msk [tilespmem:v19+s4+$0x0], $0xffff  }
0x151: {  	s24 =	sshll.u32 s8, $0x6;
	s3 =	sor.u32 s19, s20;
	v17 =	vld.idx.msk [tilespmem:v17+s4+$0x0], $0xffff;
	s8 =	rddreg [dreg:$0xd];
	[tilespmem:s2+$0xD080] =	vst v16  }
0x152: {  	s28 =	sor.u32 s21, s26;
	s25 =	smul.u32 $0x10400, s8;
	p1 =	sne.s32 s8, $0x11;
	[tilespmem:s3+$0xD080] =	vst v18  }
.Ltmp4:
0x153: {  	s0 =	sadd.s32 s24, s22;
	s2 =	rddreg [dreg:$0x3];
	(pc) =	sbr.rel @p1 .LBB2_12-.Ltmp4, $4  }
0x154: {  	s0 =	sadd.s32 $0xFFFFFEC0, s0;
	[dreg:$0xe] =	wrdreg s25;
	s2 =	sadd.s32 s2, s25  }
0x155: {  	s30 =	rddreg [dreg:$0x1];
	s0 =	sor.u32 $0x80, s0;
	[tilespmem:s28+$0xD080] =	vst v19;
	s29 =	sshrl.u32 s2, $0x3  }
0x156: {  	s31 =	simm.s32 $0xD000;
	[tilespmem:s0+$0xD000] =	vst v17;
	s0 =	sadd.s32 s30, s29  }
0x157: {  	[hbm4b:s0+s4] =	stream.linear.scatter [tilespmem:s31], [sflag:$0x3], $0x8200, $0x38;
	[tilespmem:$0x1E200] =	vst v63  }
.Ltmp5:
0x158: {  	(pc) =	sbr.rel .LBB2_13-.Ltmp5, $4  }
0x159: {  	s0 =	simm.s32 $0x2  }
0x15a: {  	_ =	swait.ge [sflag:s0], $0x6800  }
0x15b: {  	[sflag:s0] =	ssyncset.done $0x0  }
0x15c: {  	[sflag:s0] =	ssyncadd.s32 $0xFFFF9800  }
.LBB2_12:
0x15d: {  	s0 =	smul.u32 $0xD000, s8  }
0x15e: {  	s1 =	rddreg [dreg:$0x8]  }
0x15f: {  	s0 =	sadd.s32 s0, s1  }
0x160: {  	s30 =	rddreg [dreg:$0x0];
	s0 =	sshrl.u32 s0, $0x3  }
.Ltmp6:
0x161: {  	s31 =	simm.s32 $0x2;
	s0 =	sadd.s32 s30, s0;
	(pc) =	sbr.rel @p0 .LBB2_14-.Ltmp6, $4  }
0x162: {  	[tilespmem:s4], [sflag:$0x1] =	stream.linear.gather [hbm4b:s0+s4], $0x6800, $0x38;
	[tilespmem:$0x1E200] =	vst v63  }
0x163: {  	_ =	swait.ge [sflag:s31], $0x6800  }
0x164: {  	[sflag:s31] =	ssyncset.done $0x0  }
0x165: {  	[sflag:s31] =	ssyncadd.s32 $0xFFFF9800  }
.LBB2_13:
0x166: {  	s0 =	simm.s32 $0x4  }
0x167: {  	_ =	swait.ge [sflag:s0], $0x8200  }
0x168: {  	[sflag:s0] =	ssyncset.done $0x0  }
0x169: {  	[sflag:s0] =	ssyncadd.s32 $0xFFFF7E00  }
.LBB2_14:
0x16a: {  	s0 =	simm.s32 $0x40  }
0x16b: {  	v16 =	vmov s0  }
0x16c: {  	s28 =	simm.s32 $0x0;
	v22 =	vshll.u32 v16, $0x1  }
0x16d: {  	s6 =	simm.s32 $0x80;
	v17 =	vmov s28;
	v16 =	vand.u32 $0x7E00, v22  }
0x16e: {  	s2 =	simm.s32 $0xC0;
	v19 =	vmov s6;
	v17 =	vshll.u32 v17, $0x1;
	v16 =	vbroadcast v16, $0x0  }
0x16f: {  	s1 =	sadd.s32 $0x1, s8;
	s3 =	simm.s32 $0x130;
	s29 =	simm.s32 $0x50;
	v20 =	vmov s2;
	v19 =	vshll.u32 v19, $0x1;
	v17 =	vbroadcast v17, $0x0  }
0x170: {  	s5 =	simm.s32 $0xA0;
	s8 =	simm.s32 $0x0;
	s11 =	simm.s32 $0xA0;
	v23 =	vshll.u32 v20, $0x1;
	v19 =	vbroadcast v19, $0x0;
	v18 =	vor.u32 v5, v16  }
0x171: {  	s12 =	simm.s32 $0x140;
	s13 =	simm.s32 $0x0;
	s16 =	simm.s32 $0xF0;
	v20 =	vand.u32 $0x7F00, v23;
	v21 =	vor.u32 v0, v17  }
0x172: {  	s10 =	simm.s32 $0x1E0;
	s20 =	simm.s32 $0x60;
	s21 =	simm.s32 $0xC0;
	v25 =	vbroadcast v20, $0x0;
	v20 =	vor.u32 v0, v19  }
0x173: {  	s22 =	simm.s32 $0x100;
	s23 =	simm.s32 $0x200;
	s24 =	simm.s32 $0xC0  }
0x174: {  	s26 =	simm.s32 $0x220;
	[dreg:$0xf] =	wrdreg s1;
	s1 =	simm.s32 $0x260  }
0x175: {  	s30 =	sand.u32 $0x50, s29;
	s7 =	sand.u32 $0xFF00, s5;
	s6 =	sand.u32 $0x40, s13;
	v26 =	vor.u32 v5, v25;
	v18 =	vld.idx.msk [tilespmem:v18+s15+$0x0], $0xffff  }
0x176: {  	s5 =	sand.u32 $0xFF00, s8;
	s17 =	sand.u32 $0xFF00, s12;
	s2 =	sand.u32 $0x70, s16;
	v24 =	vor.u32 v6, v16;
	v21 =	vld.idx.msk [tilespmem:v21+s15+$0x0], $0xffff  }
0x177: {  	s18 =	sand.u32 $0xFF00, s10;
	s0 =	sand.u32 $0x60, s20;
	s8 =	sand.u32 $0x1FF00, s23;
	v27 =	vor.u32 v1, v17;
	v20 =	vld.idx.msk [tilespmem:v20+s15+$0x0], $0xffff  }
0x178: {  	s31 =	sand.u32 $0x40, s24;
	s10 =	sand.u32 $0x1FF00, s26;
	s28 =	simm.s32 $0xD0;
	v28 =	vor.u32 v1, v19  }
0x179: {  	s29 =	simm.s32 $0x120;
	s26 =	simm.s32 $0x140;
	s9 =	sor.u32 s30, s7  }
0x17a: {  	s23 =	simm.s32 $0x100;
	s7 =	sand.u32 $0x60, s11;
	s19 =	sor.u32 s6, s5;
	v26 =	vld.idx.msk [tilespmem:v26+s15+$0x0], $0xffff;
	[tilespmem:s9+$0x15200] =	vst v18  }
0x17b: {  	s12 =	sor.u32 s2, s18;
	s5 =	sand.u32 $0xFF00, s21;
	s11 =	sor.u32 s7, s17;
	[tilespmem:s19+$0x15200] =	vst v21;
	v18 =	vld.idx.msk [tilespmem:v24+s15+$0x0], $0xffff  }
0x17c: {  	s6 =	sand.u32 $0x40, s22;
	s18 =	simm.s32 $0x110;
	s21 =	simm.s32 $0x1A0;
	[tilespmem:s11+$0x15200] =	vst v20;
	v27 =	vld.idx.msk [tilespmem:v27+s15+$0x0], $0xffff;
	v24 =	vor.u32 v7, v16  }
0x17d: {  	s22 =	simm.s32 $0x240;
	s1 =	sand.u32 $0x1FF00, s1;
	s13 =	sor.u32 s0, s5;
	v21 =	vor.u32 v6, v25;
	v28 =	vld.idx.msk [tilespmem:v28+s15+$0x0], $0xffff  }
0x17e: {  	s5 =	sadd.s32 $0x15200, s19;
	s6 =	sor.u32 s6, s8;
	s17 =	simm.s32 $0x180;
	v29 =	vor.u32 v2, v17  }
0x17f: {  	s8 =	sand.u32 $0x50, s18;
	s18 =	sand.u32 $0x50, s28;
	s28 =	sand.u32 $0x1FF00, s21;
	v31 =	vor.u32 v2, v19;
	[tilespmem:s12+$0x15200] =	vst v26  }
0x180: {  	s21 =	simm.s32 $0x80;
	s16 =	sadd.s32 $0x15200, s11;
	s25 =	sand.u32 $0x1FF00, s17;
	[tilespmem:s13+$0x15200] =	vst v18  }
0x181: {  	s21 =	sand.u32 $0x1FF00, s21;
	s20 =	sor.u32 s31, s25;
	s25 =	simm.s32 $0x180;
	v33 =	vor.u32 v3, v17;
	v30 =	vor.u32 v8, v16;
	[tilespmem:s5+$0x10] =	vst v27;
	v18 =	vld.idx.msk [tilespmem:v24+s15+$0x0], $0xffff  }
0x182: {  	v35 =	vor.u32 v9, v16;
	s19 =	sor.u32 s8, s10;
	s11 =	simm.s32 $0x1C0;
	v20 =	vmov s26;
	s10 =	simm.s32 $0x40;
	v26 =	vld.idx.msk [tilespmem:v21+s15+$0x0], $0xffff;
	[tilespmem:s16+$0x10] =	vst v28;
	v28 =	vmov s25  }
0x183: {  	s26 =	simm.s32 $0x80;
	v20 =	vshll.u32 v20, $0x1;
	s12 =	sor.u32 s18, s28;
	s28 =	simm.s32 $0x100;
	v27 =	vor.u32 v7, v25;
	v29 =	vld.idx.msk [tilespmem:v29+s15+$0x0], $0xffff;
	v16 =	vshll.u32 v28, $0x1  }
0x184: {  	s9 =	sadd.s32 $0x15200, s9;
	v32 =	vmov s11;
	s10 =	sand.u32 $0x40, s10;
	s17 =	sand.u32 $0x1FF00, s28;
	v21 =	vand.u32 $0x7E00, v20;
	v31 =	vld.idx.msk [tilespmem:v31+s15+$0x0], $0xffff;
	v16 =	vbroadcast v16, $0x0  }
0x185: {  	v36 =	vor.u32 v3, v19;
	s21 =	sor.u32 s10, s21;
	s28 =	simm.s32 $0x90;
	s16 =	sand.u32 $0x40, s26;
	v24 =	vbroadcast v21, $0x0;
	v21 =	vshll.u32 v32, $0x1  }
0x186: {  	s13 =	sand.u32 $0x60, s29;
	s29 =	sand.u32 $0x1FF00, s22;
	s22 =	simm.s32 $0xE0;
	v34 =	vand.u32 $0x7F00, v21;
	v59 =	vor.u32 v0, v16;
	[tilespmem:s9+$0x20] =	vst v18;
	v18 =	vmov s23  }
0x187: {  	s26 =	sor.u32 s16, s17;
	s11 =	sor.u32 s13, s29;
	s29 =	simm.s32 $0x1C0;
	v57 =	vor.u32 v5, v24;
	[tilespmem:s6+$0x15200] =	vst v26;
	v26 =	vbroadcast v34, $0x0;
	v30 =	vld.idx.msk [tilespmem:v30+s15+$0x0], $0xffff;
	v18 =	vshll.u32 v18, $0x1  }
0x188: {  	s25 =	sand.u32 $0x1FF00, s29;
	s29 =	simm.s32 $0x120;
	s6 =	sand.u32 $0x70, s3;
	v27 =	vld.idx.msk [tilespmem:v27+s15+$0x0], $0xffff;
	[tilespmem:s5+$0x20] =	vst v29;
	v18 =	vbroadcast v18, $0x0  }
0x189: {  	s10 =	sor.u32 s6, s1;
	v58 =	vor.u32 v5, v26;
	[tilespmem:s20+$0x15200] =	vst v31;
	s9 =	sand.u32 $0x60, s22;
	v29 =	vld.idx.msk [tilespmem:v33+s15+$0x0], $0xffff;
	s23 =	sand.u32 $0x50, s28  }
0x18a: {  	s22 =	sand.u32 $0x1FF00, s29;
	s28 =	simm.s32 $0x320;
	v36 =	vld.idx.msk [tilespmem:v36+s15+$0x0], $0xffff;
	s29 =	simm.s32 $0x140;
	v28 =	vor.u32 v0, v18  }
0x18b: {  	v37 =	vor.u32 v4, v19;
	s1 =	sor.u32 s23, s22;
	s22 =	simm.s32 $0x280;
	s20 =	sand.u32 $0xFF00, s28;
	v34 =	vld.idx.msk [tilespmem:v59+s15+$0x0], $0xffff  }
0x18c: {  	v61 =	vor.u32 v8, v25;
	s28 =	sand.u32 $0x40, s29;
	s29 =	sand.u32 $0xFF00, s22;
	[tilespmem:s26+$0x15200] =	vst v30;
	v30 =	vld.idx.msk [tilespmem:v57+s15+$0x0], $0xffff;
	s26 =	simm.s32 $0x190  }
0x18d: {  	v60 =	vor.u32 v6, v24;
	s22 =	simm.s32 $0x1E0;
	[tilespmem:s19+$0x15200] =	vst v27;
	v31 =	vld.idx.msk [tilespmem:v35+s15+$0x0], $0xffff;
	s3 =	sand.u32 $0x50, s26;
	s26 =	simm.s32 $0x3C0  }
0x18e: {  	v27 =	vor.u32 v4, v17;
	[tilespmem:s5+$0x30] =	vst v29;
	v29 =	vld.idx.msk [tilespmem:v58+s15+$0x0], $0xffff;
	s5 =	sand.u32 $0x60, s22;
	s22 =	sand.u32 $0xFF00, s26  }
0x18f: {  	s24 =	simm.s32 $0x4;
	[tilespmem:s12+$0x15200] =	vst v36;
	s3 =	sor.u32 s3, s20;
	v28 =	vld.idx.msk [tilespmem:v28+s15+$0x0], $0xffff;
	s5 =	sor.u32 s5, s22  }
0x190: {  	v62 =	vor.u32 v1, v18;
	v37 =	vld.idx.msk [tilespmem:v37+s15+$0x0], $0xffff;
	s20 =	sor.u32 s28, s29;
	s28 =	simm.s32 $0x230;
	s29 =	simm.s32 $0x460;
	[tilespmem:s5+$0x15200] =	vst v34  }
0x191: {  	s17 =	sor.u32 s9, s25;
	v35 =	vld.idx.msk [tilespmem:v61+s15+$0x0], $0xffff;
	s19 =	sand.u32 $0x70, s28;
	s26 =	sand.u32 $0xFF00, s29;
	[tilespmem:s3+$0x15200] =	vst v30;
	v30 =	vor.u32 v1, v16  }
0x192: {  	v63 =	vor.u32 v6, v26;
	s25 =	simm.s32 $0x4E0;
	s29 =	simm.s32 $0x340;
	s19 =	sor.u32 s19, s26;
	[tilespmem:s1+$0x15200] =	vst v31;
	v31 =	vld.idx.msk [tilespmem:v60+s15+$0x0], $0xffff  }
0x193: {  	v38 =	vor.u32 v7, v24;
	v27 =	vld.idx.msk [tilespmem:v27+s15+$0x0], $0xffff;
	s28 =	simm.s32 $0x1A0;
	s12 =	sand.u32 $0xFF00, s29;
	s26 =	simm.s32 $0x240;
	[tilespmem:s19+$0x15200] =	vst v29  }
0x194: {  	v39 =	vor.u32 v9, v25;
	s19 =	simm.s32 $0x270;
	s22 =	sand.u32 $0x40, s26;
	s26 =	simm.s32 $0x250;
	[tilespmem:s20+$0x15200] =	vst v28  }
0x195: {  	[tilespmem:s17+$0x15200] =	vst v37;
	s17 =	simm.s32 $0x420;
	s1 =	sand.u32 $0x60, s28;
	s28 =	simm.s32 $0x480;
	v40 =	vld.idx.msk [tilespmem:v62+s15+$0x0], $0xffff  }
0x196: {  	v41 =	vor.u32 v2, v18;
	[tilespmem:s11+$0x15200] =	vst v35;
	s11 =	sand.u32 $0x50, s26;
	s12 =	sor.u32 s1, s12;
	s29 =	sand.u32 $0x1FF00, s28;
	v42 =	vld.idx.msk [tilespmem:v30+s15+$0x0], $0xffff  }
0x197: {  	v32 =	vor.u32 v2, v16;
	v34 =	vld.idx.msk [tilespmem:v63+s15+$0x0], $0xffff;
	s1 =	sadd.s32 $0x15200, s20;
	s20 =	sor.u32 s22, s29;
	s29 =	simm.s32 $0x4A0;
	[tilespmem:s12+$0x15200] =	vst v31  }
0x198: {  	s26 =	simm.s32 $0x260;
	s28 =	sadd.s32 $0x15200, s5;
	[tilespmem:s21+$0x15200] =	vst v27;
	s21 =	sand.u32 $0x1FF00, s29;
	v31 =	vor.u32 v7, v26;
	v35 =	vld.idx.msk [tilespmem:v38+s15+$0x0], $0xffff  }
0x199: {  	v25 =	vor.u32 v4, v16;
	v37 =	vor.u32 v8, v24;
	v33 =	vld.idx.msk [tilespmem:v39+s15+$0x0], $0xffff;
	s22 =	simm.s32 $0x400;
	s11 =	sor.u32 s11, s21;
	s12 =	simm.s32 $0x200  }
0x19a: {  	v29 =	vor.u32 v3, v16;
	v27 =	vor.u32 v4, v18;
	v28 =	vor.u32 v8, v26;
	s21 =	simm.s32 $0x4C0;
	s5 =	sand.u32 $0x40, s12;
	s12 =	sand.u32 $0x1FF00, s22;
	[tilespmem:s1+$0x10] =	vst v40  }
0x19b: {  	v30 =	vor.u32 v3, v18;
	v26 =	vor.u32 v9, v26;
	s22 =	simm.s32 $0x2C0;
	s12 =	sor.u32 s5, s12;
	s5 =	simm.s32 $0x210;
	v36 =	vld.idx.msk [tilespmem:v41+s15+$0x0], $0xffff;
	[tilespmem:s28+$0x10] =	vst v42  }
.LBB2_15:
0x19c: {  	s28 =	sadd.s32 $0xFFFFFF80, s22;
	v38 =	vmov s22;
	s24 =	sadd.s32 $0x4, s24;
	s3 =	sadd.s32 $0x15200, s3;
	v32 =	vld.idx.msk [tilespmem:v32+s15+$0x0], $0xffff;
	[tilespmem:s20+$0x15200] =	vst v34  }
0x19d: {  	s20 =	sadd.s32 $0xFFFFFF40, s22;
	v34 =	vmov s28;
	s28 =	sadd.s32 $0xFFFFFFC0, s22;
	v38 =	vshll.u32 v38, $0x1;
	p0 =	slt.u32 s24, $0xCC;
	[tilespmem:s3+$0x20] =	vst v35;
	v31 =	vld.idx.msk [tilespmem:v31+s15+$0x0], $0xffff  }
0x19e: {  	v35 =	vmov s20;
	s3 =	sand.u32 $0x50, s5;
	s5 =	sand.u32 $0x1FF00, s17;
	s20 =	sand.u32 $0x60, s26;
	v34 =	vshll.u32 v34, $0x1;
	v39 =	vmov s28;
	v37 =	vld.idx.msk [tilespmem:v37+s15+$0x0], $0xffff;
	[tilespmem:s10+$0x15200] =	vst v33  }
0x19f: {  	v33 =	vshll.u32 v35, $0x1;
	s10 =	sadd.s32 $0xFFFFFF10, s19;
	s17 =	sor.u32 s3, s5;
	s3 =	sand.u32 $0x1FF00, s21;
	v34 =	vand.u32 $0x7E00, v34;
	v35 =	vshll.u32 v39, $0x1  }
0x1a0: {  	s26 =	sadd.s32 $0xFFFFFFB0, s19;
	v38 =	vand.u32 $0x7F00, v38;
	s21 =	sadd.s32 $0xFFFFFE20, s25;
	v39 =	vor.u32 v9, v24;
	s5 =	sor.u32 s20, s3;
	v24 =	vbroadcast v34, $0x0  }
0x1a1: {  	s28 =	sadd.s32 $0xFFFFFF60, s25;
	v33 =	vbroadcast v33, $0x0;
	s3 =	sadd.s32 $0xFFFFFF50, s19;
	s20 =	sadd.s32 $0xFFFFFEA0, s25;
	v34 =	vbroadcast v35, $0x0;
	[tilespmem:s1+$0x20] =	vst v36  }
0x1a2: {  	s10 =	sand.u32 $0x40, s10;
	s3 =	sand.u32 $0x40, s3;
	s20 =	sand.u32 $0x1FF00, s20;
	v36 =	vbroadcast v38, $0x0;
	v35 =	vor.u32 v5, v24;
	v38 =	vld.idx.msk [tilespmem:v30+s15+$0x0], $0xffff;
	[tilespmem:s12+$0x15200] =	vst v32  }
0x1a3: {  	v40 =	vor.u32 v0, v33;
	v41 =	vor.u32 v1, v33;
	s3 =	sor.u32 s3, s20;
	s20 =	sand.u32 $0x60, s26;
	v42 =	vor.u32 v0, v34;
	s12 =	sand.u32 $0x1FF00, s21;
	[tilespmem:s11+$0x15200] =	vst v31  }
0x1a4: {  	s26 =	sand.u32 $0x1FF00, s25;
	v43 =	vor.u32 v1, v34;
	s21 =	sand.u32 $0x70, s19;
	v44 =	vor.u32 v5, v36;
	v45 =	vor.u32 v6, v36;
	[tilespmem:s3+$0x15200] =	vst v37;
	s3 =	sand.u32 $0x1FF00, s28  }
0x1a5: {  	v46 =	vor.u32 v2, v33;
	v32 =	vor.u32 v2, v34;
	v31 =	vor.u32 v7, v36;
	s12 =	sor.u32 s10, s12;
	s10 =	sor.u32 s21, s26;
	v37 =	vld.idx.msk [tilespmem:v39+s15+$0x0], $0xffff;
	s11 =	sor.u32 s20, s3  }
0x1a6: {  	v30 =	vor.u32 v3, v33;
	v39 =	vor.u32 v8, v36;
	s3 =	sadd.s32 $0xFFFFFEC0, s25;
	v47 =	vld.idx.msk [tilespmem:v29+s15+$0x0], $0xffff;
	v29 =	vor.u32 v3, v34  }
0x1a7: {  	v33 =	vor.u32 v4, v33;
	v36 =	vor.u32 v9, v36;
	s25 =	sadd.s32 $0x280, s25;
	v34 =	vor.u32 v4, v34;
	s3 =	sand.u32 $0x1FF00, s3;
	v35 =	vld.idx.msk [tilespmem:v35+s15+$0x0], $0xffff  }
0x1a8: {  	s21 =	sadd.s32 $0xFFFFFE40, s25;
	s26 =	sadd.s32 $0xFFFFFDA0, s25;
	v40 =	vld.idx.msk [tilespmem:v40+s15+$0x0], $0xffff;
	[tilespmem:s1+$0x30] =	vst v38;
	s1 =	sadd.s32 $0xFFFFFF60, s19  }
0x1a9: {  	s28 =	sadd.s32 $0xFFFFFF80, s25;
	v38 =	vor.u32 v6, v24;
	s19 =	sadd.s32 $0x140, s19;
	v42 =	vld.idx.msk [tilespmem:v42+s15+$0x0], $0xffff;
	s1 =	sand.u32 $0x50, s1  }
0x1aa: {  	s26 =	sand.u32 $0xFF00, s26;
	s20 =	sadd.s32 $0xFFFFFF20, s19;
	v44 =	vld.idx.msk [tilespmem:v44+s15+$0x0], $0xffff;
	s1 =	sor.u32 s1, s3  }
0x1ab: {  	s3 =	sand.u32 $0x50, s20;
	s20 =	sand.u32 $0xFF00, s21;
	s21 =	sadd.s32 $0xFFFFFFC0, s19;
	[tilespmem:s1+$0x15200] =	vst v37;
	v37 =	vld.idx.msk [tilespmem:v28+s15+$0x0], $0xffff;
	v28 =	vmov v39  }
0x1ac: {  	s3 =	sor.u32 s3, s20;
	s1 =	sadd.s32 $0xFFFFFF70, s19;
	s20 =	sadd.s32 $0xFFFFFEE0, s25;
	v39 =	vld.idx.msk [tilespmem:v27+s15+$0x0], $0xffff;
	[tilespmem:s17+$0x15200] =	vst v47;
	v27 =	vmov v33  }
0x1ad: {  	s28 =	sand.u32 $0xFF00, s28;
	s21 =	sand.u32 $0x70, s21;
	s17 =	sadd.s32 $0xFFFFFED0, s19;
	[tilespmem:s3+$0x15200] =	vst v35;
	v47 =	vld.idx.msk [tilespmem:v25+s15+$0x0], $0xffff;
	v25 =	vmov v34  }
0x1ae: {  	s1 =	sand.u32 $0x60, s1;
	s20 =	sand.u32 $0xFF00, s20;
	s17 =	sand.u32 $0x40, s17;
	v33 =	vld.idx.msk [tilespmem:v38+s15+$0x0], $0xffff  }
0x1af: {  	s20 =	sor.u32 s1, s20;
	s1 =	sor.u32 s21, s28  }
0x1b0: {  	v35 =	vor.u32 v7, v24;
	s21 =	sadd.s32 $0xFFFFFF30, s19;
	s17 =	sor.u32 s17, s26;
	s26 =	sadd.s32 $0xFFFFFE60, s25  }
0x1b1: {  	s28 =	sadd.s32 $0xFFFFFFD0, s19;
	s21 =	sand.u32 $0x60, s21;
	s26 =	sand.u32 $0xFF00, s26;
	[tilespmem:s17+$0x15200] =	vst v40  }
0x1b2: {  	s29 =	sadd.s32 $0xFFFFFFA0, s25;
	s21 =	sor.u32 s21, s26;
	v38 =	vld.idx.msk [tilespmem:v41+s15+$0x0], $0xffff;
	[tilespmem:s20+$0x15200] =	vst v42  }
0x1b3: {  	s26 =	sand.u32 $0x40, s28;
	s28 =	sand.u32 $0x1FF00, s29;
	v40 =	vld.idx.msk [tilespmem:v43+s15+$0x0], $0xffff;
	[tilespmem:s1+$0x15200] =	vst v44;
	s1 =	sadd.s32 $0x15200, s17  }
0x1b4: {  	s17 =	sadd.s32 $0xFFFFFF90, s19;
	[tilespmem:s21+$0x15200] =	vst v33;
	s21 =	sadd.s32 $0x15200, s20;
	v34 =	vld.idx.msk [tilespmem:v45+s15+$0x0], $0xffff;
	s20 =	sor.u32 s26, s28  }
.Ltmp7:
0x1b5: {  	s26 =	sadd.s32 $0xFFFFFF20, s25;
	s28 =	sadd.s32 $0xFFFFFFE0, s19;
	v35 =	vld.idx.msk [tilespmem:v35+s15+$0x0], $0xffff;
	[tilespmem:s5+$0x15200] =	vst v37;
	(pc) =	sbr.rel @p0 .LBB2_15-.Ltmp7, $4  }
0x1b6: {  	s5 =	sand.u32 $0x40, s17;
	s17 =	sand.u32 $0x1FF00, s26;
	s26 =	sadd.s32 $0xFFFFFFC0, s25;
	[tilespmem:s12+$0x15200] =	vst v39;
	v33 =	vld.idx.msk [tilespmem:v26+s15+$0x0], $0xffff;
	v26 =	vmov v36  }
0x1b7: {  	v37 =	vor.u32 v8, v24;
	s28 =	sand.u32 $0x50, s28;
	s12 =	sor.u32 s5, s17;
	s26 =	sand.u32 $0x1FF00, s26;
	[tilespmem:s11+$0x15200] =	vst v47  }
0x1b8: {  	s5 =	sadd.s32 $0xFFFFFFA0, s19;
	s17 =	sadd.s32 $0xFFFFFF40, s25;
	s11 =	sor.u32 s28, s26;
	[tilespmem:s1+$0x10] =	vst v38  }
0x1b9: {  	s22 =	sadd.s32 $0x100, s22;
	s26 =	sadd.s32 $0xFFFFFFF0, s19;
	v36 =	vld.idx.msk [tilespmem:v46+s15+$0x0], $0xffff;
	[tilespmem:s21+$0x10] =	vst v40;
	s21 =	sadd.s32 $0xFFFFFFE0, s25  }
0x1ba: {  	_ =	sdelay $0x3  }
0x1bb: {  	v32 =	vld.idx.msk [tilespmem:v32+s15+$0x0], $0xffff;
	[tilespmem:s20+$0x15200] =	vst v34  }
0x1bc: {  	v31 =	vld.idx.msk [tilespmem:v31+s15+$0x0], $0xffff  }
0x1bd: {  	s3 =	sadd.s32 $0x15200, s3  }
0x1be: {  	[tilespmem:s3+$0x20] =	vst v35  }
0x1bf: {  	v55 =	vld.idx.msk [tilespmem:v37+s15+$0x0], $0xffff;
	[tilespmem:s1+$0x20] =	vst v36  }
0x1c0: {  	v24 =	vor.u32 v9, v24;
	v30 =	vld.idx.msk [tilespmem:v30+s15+$0x0], $0xffff;
	[tilespmem:s12+$0x15200] =	vst v32  }
0x1c1: {  	s24 =	sadd.s32 $0xFFFFFF50, s19;
	s28 =	sadd.s32 $0xFFFFFEA0, s25;
	[tilespmem:s11+$0x15200] =	vst v31;
	v29 =	vld.idx.msk [tilespmem:v29+s15+$0x0], $0xffff  }
0x1c2: {  	s3 =	sand.u32 $0x40, s24;
	s29 =	sand.u32 $0x1FF00, s28;
	v28 =	vld.idx.msk [tilespmem:v28+s15+$0x0], $0xffff  }
0x1c3: {  	s3 =	sor.u32 s3, s29  }
0x1c4: {  	s5 =	sand.u32 $0x50, s5;
	s12 =	sand.u32 $0x1FF00, s17;
	[tilespmem:s3+$0x15200] =	vst v55  }
0x1c5: {  	s20 =	sand.u32 $0x1FF00, s21;
	s17 =	sand.u32 $0x60, s26;
	s5 =	sor.u32 s5, s12;
	v24 =	vld.idx.msk [tilespmem:v24+s15+$0x0], $0xffff;
	[tilespmem:s1+$0x30] =	vst v30  }
0x1c6: {  	s21 =	sadd.s32 $0xFFFFFF10, s19;
	s22 =	sadd.s32 $0xFFFFFE20, s25;
	s3 =	sor.u32 s17, s20;
	v27 =	vld.idx.msk [tilespmem:v27+s15+$0x0], $0xffff;
	[tilespmem:s5+$0x15200] =	vst v29  }
0x1c7: {  	s24 =	sadd.s32 $0xFFFFFFB0, s19;
	s28 =	sadd.s32 $0xFFFFFEC0, s25;
	s26 =	sadd.s32 $0xFFFFFF60, s19;
	v25 =	vld.idx.msk [tilespmem:v25+s15+$0x0], $0xffff;
	[tilespmem:s3+$0x15200] =	vst v28  }
0x1c8: {  	s29 =	sadd.s32 $0xFFFFFF60, s25;
	s11 =	sand.u32 $0x50, s26;
	s17 =	sand.u32 $0x1FF00, s28;
	v26 =	vld.idx.msk [tilespmem:v26+s15+$0x0], $0xffff  }
0x1c9: {  	[tilespmem:s10+$0x15200] =	vst v33;
	s12 =	sand.u32 $0x1FF00, s22;
	s11 =	sor.u32 s11, s17;
	s1 =	sand.u32 $0x40, s21;
	v28 =	vor.u32 v11, v19  }
0x1ca: {  	v22 =	vbroadcast v22, $0x0;
	s5 =	sand.u32 $0x60, s24;
	s1 =	sor.u32 s1, s12;
	s3 =	sand.u32 $0x1FF00, s29;
	[tilespmem:s11+$0x15200] =	vst v24  }
0x1cb: {  	s17 =	sand.u32 $0x70, s19;
	s19 =	sand.u32 $0x1FF00, s25;
	s3 =	sor.u32 s5, s3;
	v24 =	vor.u32 v11, v17;
	[tilespmem:s1+$0x15200] =	vst v27  }
0x1cc: {  	v23 =	vbroadcast v23, $0x0;
	s20 =	sor.u32 s17, s19;
	[tilespmem:s3+$0x15200] =	vst v25;
	v25 =	vor.u32 v5, v22  }
0x1cd: {  	p0 =	por $0x1, $0x1;
	[tilespmem:s20+$0x15200] =	vst v26  }
0x1ce: {  	p1 =	por $0x0, $0x0;
	s22 =	simm.s32 $0x140;
	s25 =	simm.s32 $0x1E0;
	v26 =	vor.u32 v5, v23;
	v27 =	vld.idx.msk [tilespmem:v28+s15+$0x0], $0xffff  }
0x1cf: {  	s21 =	simm.s32 $0x4;
	s24 =	simm.s32 $0xA0;
	s1 =	simm.s32 $0x1;
	v28 =	vor.u32 v12, v19  }
0x1d0: {  	s10 =	sand.u32 $0xFF00, s24;
	s5 =	sand.u32 $0xFF00, s22;
	s1 =	simm.s32 @!p1 $0x0;
	v24 =	vld.idx.msk [tilespmem:v24+s15+$0x0], $0xffff  }
0x1d1: {  	v29 =	vor.u32 v12, v17;
	s29 =	simm.s32 $0xC0;
	s5 =	sor.u32 s7, s5;
	s1 =	sshll.u32 s1, $0x6;
	v25 =	vld.idx.msk [tilespmem:v25+s15+$0x0], $0xffff  }
0x1d2: {  	v56 =	vor.u32 v6, v22;
	s24 =	simm.s32 $0x240;
	s5 =	sadd.s32 $0x15200, s5;
	s1 =	sadd.s32 $0x140, s1  }
0x1d3: {  	s10 =	sor.u32 s30, s10;
	s7 =	sand.u32 $0xFF00, s25;
	s26 =	sadd.s32 $0xFFFFFEC0, s1;
	v26 =	vld.idx.msk [tilespmem:v26+s15+$0x0], $0xffff;
	[tilespmem:s5+$0x80] =	vst v27  }
0x1d4: {  	s25 =	simm.s32 $0x180;
	s2 =	sor.u32 s2, s7;
	s28 =	sor.u32 $0x80, s26;
	v27 =	vor.u32 v6, v23;
	v28 =	vld.idx.msk [tilespmem:v28+s15+$0x0], $0xffff  }
0x1d5: {  	s7 =	sand.u32 $0xFF00, s29;
	s29 =	simm.s32 $0x1A0;
	s3 =	sand.u32 $0x7, s21;
	[tilespmem:s28+$0x15200] =	vst v24;
	v24 =	vor.u32 v13, v19  }
0x1d6: {  	s7 =	sor.u32 s0, s7;
	s0 =	sand.u32 $0x1FF00, s24;
	s3 =	sshll.u32 s3, $0x4;
	v29 =	vld.idx.msk [tilespmem:v29+s15+$0x0], $0xffff;
	[tilespmem:s10+$0x15280] =	vst v25  }
0x1d7: {  	s24 =	simm.s32 $0x190;
	s21 =	simm.s32 $0x100;
	s3 =	sadd.s32 $0x140, s3;
	v25 =	vor.u32 v13, v17;
	v30 =	vld.idx.msk [tilespmem:v56+s15+$0x0], $0xffff  }
0x1d8: {  	v57 =	vor.u32 v7, v22;
	p1 =	por !p1, !p1;
	s1 =	sadd.s32 $0xC0, s1;
	s3 =	sadd.s32 $0xFFFFFF70, s3;
	[tilespmem:s2+$0x15280] =	vst v26  }
0x1d9: {  	s30 =	sor.u32 $0x90, s26;
	s1 =	sor.u32 $0x80, s1;
	s12 =	sor.u32 $0xA0, s26;
	v26 =	vld.idx.msk [tilespmem:v27+s15+$0x0], $0xffff;
	[tilespmem:s5+$0x90] =	vst v28  }
0x1da: {  	s19 =	sor.u32 $0xA0, s3;
	s3 =	sand.u32 $0x1FF00, s21;
	s11 =	sor.u32 $0xB0, s26;
	v27 =	vor.u32 v7, v23;
	v24 =	vld.idx.msk [tilespmem:v24+s15+$0x0], $0xffff  }
0x1db: {  	s26 =	simm.s32 $0x120;
	s21 =	simm.s32 $0x1E0;
	s10 =	simm.s32 $0x220;
	[tilespmem:s30+$0x15200] =	vst v29;
	v28 =	vor.u32 v14, v19  }
0x1dc: {  	s28 =	simm.s32 $0x260;
	s20 =	sand.u32 $0x1FF00, s10;
	s2 =	sand.u32 $0x1FF00, s25;
	v25 =	vld.idx.msk [tilespmem:v25+s15+$0x0], $0xffff;
	[tilespmem:s7+$0x15280] =	vst v30  }
0x1dd: {  	s10 =	sor.u32 s16, s3;
	s3 =	sand.u32 $0x1FF00, s26;
	s16 =	simm.s32 $0x1C0;
	v29 =	vor.u32 v14, v17;
	v30 =	vld.idx.msk [tilespmem:v57+s15+$0x0], $0xffff  }
0x1de: {  	v58 =	vor.u32 v8, v22;
	s25 =	simm.s32 $0x320;
	s26 =	simm.s32 $0x230;
	s2 =	sor.u32 s31, s2;
	[tilespmem:s1+$0x15200] =	vst v26  }
0x1df: {  	s22 =	sor.u32 s8, s20;
	s8 =	sand.u32 $0x1FF00, s29;
	s3 =	sor.u32 s23, s3;
	v26 =	vld.idx.msk [tilespmem:v27+s15+$0x0], $0xffff;
	[tilespmem:s2+$0x15280] =	vst v24;
	v24 =	vor.u32 v11, v16  }
0x1e0: {  	s29 =	sand.u32 $0x50, s24;
	s24 =	simm.s32 $0x1A0;
	s5 =	sor.u32 s13, s0;
	v27 =	vor.u32 v8, v23;
	v28 =	vld.idx.msk [tilespmem:v28+s15+$0x0], $0xffff  }
0x1e1: {  	v20 =	vbroadcast v20, $0x0;
	s0 =	simm.s32 $0x4;
	s30 =	sor.u32 s18, s8;
	v19 =	vor.u32 v15, v19;
	s7 =	sand.u32 $0x1FF00, s28;
	[tilespmem:s12+$0x15200] =	vst v25  }
0x1e2: {  	s1 =	sor.u32 s6, s7;
	s6 =	simm.s32 $0x8;
	s7 =	simm.s32 $0x1;
	v25 =	vld.idx.msk [tilespmem:v29+s15+$0x0], $0xffff;
	v29 =	vbroadcast v21, $0x0;
	v21 =	vor.u32 v11, v18;
	[tilespmem:s19+$0x15200] =	vst v30  }
0x1e3: {  	v59 =	vor.u32 v5, v20;
	s28 =	simm.s32 $0x460;
	s31 =	sand.u32 $0x7, s6;
	s7 =	simm.s32 @!p1 $0x0;
	v30 =	vld.idx.msk [tilespmem:v58+s15+$0x0], $0xffff  }
0x1e4: {  	s2 =	simm.s32 $0x1;
	s17 =	sshll.u32 s7, $0x6;
	s7 =	simm.s32 $0x3C0;
	[tilespmem:s22+$0x15280] =	vst v26;
	v26 =	vor.u32 v5, v29;
	v24 =	vld.idx.msk [tilespmem:v24+s15+$0x0], $0xffff  }
0x1e5: {  	s2 =	simm.s32 @!p0 $0x0;
	s12 =	sshll.u32 s31, $0x4;
	s23 =	sand.u32 $0xFF00, s7;
	v27 =	vld.idx.msk [tilespmem:v27+s15+$0x0], $0xffff;
	[tilespmem:s30+$0x15280] =	vst v28;
	v28 =	vor.u32 v12, v16  }
0x1e6: {  	v23 =	vor.u32 v9, v23;
	s8 =	sshll.u32 s2, $0x6;
	s19 =	sand.u32 $0x1FF00, s16;
	s22 =	sand.u32 $0x60, s21;
	v19 =	vld.idx.msk [tilespmem:v19+s15+$0x0], $0xffff  }
0x1e7: {  	v22 =	vor.u32 v9, v22;
	s2 =	simm.s32 $0x270;
	s18 =	sor.u32 s9, s19;
	s9 =	sor.u32 s22, s23;
	[tilespmem:s11+$0x15200] =	vst v25;
	v21 =	vld.idx.msk [tilespmem:v21+s15+$0x0], $0xffff  }
0x1e8: {  	v60 =	vld.idx.msk [tilespmem:v59+s15+$0x0], $0xffff;
	s16 =	sadd.s32 $0x3C0, s17;
	s22 =	sand.u32 $0x70, s26;
	s17 =	sadd.s32 $0x15200, s9;
	v25 =	vor.u32 v12, v18;
	[tilespmem:s10+$0x15280] =	vst v30  }
0x1e9: {  	v61 =	vor.u32 v6, v20;
	s23 =	sand.u32 $0xFF00, s28;
	s26 =	simm.s32 $0x340;
	s28 =	sadd.s32 $0x3C0, s12;
	v26 =	vld.idx.msk [tilespmem:v26+s15+$0x0], $0xffff;
	[tilespmem:s17+$0x80] =	vst v24  }
0x1ea: {  	s9 =	sadd.s32 $0xFFFFFEC0, s16;
	s30 =	sand.u32 $0xFF00, s25;
	s19 =	sor.u32 s22, s23;
	v24 =	vor.u32 v6, v29;
	[tilespmem:s5+$0x15280] =	vst v27;
	v27 =	vld.idx.msk [tilespmem:v28+s15+$0x0], $0xffff  }
0x1eb: {  	s25 =	sand.u32 $0x60, s24;
	s16 =	sadd.s32 $0xC0, s16;
	s31 =	sor.u32 $0x80, s9;
	v23 =	vld.idx.msk [tilespmem:v23+s15+$0x0], $0xffff;
	[tilespmem:s18+$0x15280] =	vst v19  }
0x1ec: {  	s13 =	sand.u32 $0xFF00, s26;
	s22 =	simm.s32 $0x1C0;
	s11 =	sor.u32 s29, s30;
	v19 =	vld.idx.msk [tilespmem:v22+s15+$0x0], $0xffff;
	v22 =	vor.u32 v13, v16;
	[tilespmem:s31+$0x15200] =	vst v21  }
0x1ed: {  	v17 =	vor.u32 v15, v17;
	s23 =	simm.s32 $0x380;
	s26 =	simm.s32 $0x4C0;
	s16 =	sor.u32 $0x80, s16;
	[tilespmem:s11+$0x15280] =	vst v60;
	v21 =	vld.idx.msk [tilespmem:v25+s15+$0x0], $0xffff  }
0x1ee: {  	s29 =	simm.s32 $0x250;
	s12 =	sor.u32 $0xA0, s9;
	s24 =	sand.u32 $0x40, s22;
	v28 =	vld.idx.msk [tilespmem:v61+s15+$0x0], $0xffff;
	v25 =	vor.u32 v13, v18;
	[tilespmem:s19+$0x15280] =	vst v26  }
0x1ef: {  	s30 =	sand.u32 $0x50, s29;
	s29 =	simm.s32 $0x400;
	s10 =	sadd.s32 $0xFFFFFF70, s28;
	v26 =	vor.u32 v7, v20;
	v62 =	vld.idx.msk [tilespmem:v24+s15+$0x0], $0xffff;
	[tilespmem:s17+$0x90] =	vst v27  }
0x1f0: {  	v63 =	vor.u32 v7, v29;
	s28 =	simm.s32 $0x200;
	s5 =	sor.u32 s25, s13;
	s13 =	sor.u32 $0xA0, s10;
	[tilespmem:s1+$0x15280] =	vst v23  }
0x1f1: {  	s25 =	simm.s32 $0x260;
	s18 =	sor.u32 $0x90, s9;
	s31 =	simm.s32 $0x4A0;
	[tilespmem:s3+$0x15280] =	vst v19;
	v32 =	vld.idx.msk [tilespmem:v22+s15+$0x0], $0xffff  }
0x1f2: {  	s10 =	sand.u32 $0x60, s25;
	s21 =	sand.u32 $0x1FF00, s31;
	s31 =	sand.u32 $0x1FF00, s29;
	v27 =	vor.u32 v14, v16;
	v19 =	vld.idx.msk [tilespmem:v17+s15+$0x0], $0xffff;
	[tilespmem:s18+$0x15200] =	vst v21  }
0x1f3: {  	s11 =	sor.u32 s30, s21;
	s19 =	sand.u32 $0x1FF00, s23;
	s30 =	sand.u32 $0x40, s28;
	[tilespmem:s5+$0x15280] =	vst v28;
	v24 =	vld.idx.msk [tilespmem:v25+s15+$0x0], $0xffff  }
0x1f4: {  	s17 =	sand.u32 $0x1FF00, s26;
	s1 =	sor.u32 $0xB0, s9;
	s9 =	sadd.s32 $0x1C0, s8;
	v22 =	vor.u32 v14, v18;
	v25 =	vld.idx.msk [tilespmem:v26+s15+$0x0], $0xffff;
	[tilespmem:s16+$0x15200] =	vst v62  }
0x1f5: {  	v23 =	vor.u32 v8, v20;
	s8 =	simm.s32 $0x2C0;
	s3 =	sor.u32 s24, s19;
	v17 =	vor.u32 v15, v18;
	s18 =	sor.u32 s30, s31;
	v26 =	vld.idx.msk [tilespmem:v63+s15+$0x0], $0xffff  }
0x1f6: {  	v18 =	vor.u32 v9, v20;
	s5 =	sor.u32 s10, s17;
	v20 =	vor.u32 v9, v29;
	s10 =	simm.s32 $0x3A0;
	v21 =	vor.u32 v8, v29;
	s16 =	simm.s32 $0x1D0;
	[tilespmem:s18+$0x15280] =	vst v32  }
.LBB2_17:
0x1f7: {  	s17 =	sadd.s32 $0xFFFFFF40, s8;
	s18 =	sadd.s32 $0xFFFFFFC0, s8;
	v28 =	vmov s8;
	s0 =	sadd.s32 $0x4, s0;
	v27 =	vld.idx.msk [tilespmem:v27+s15+$0x0], $0xffff  }
0x1f8: {  	v29 =	vmov s17;
	s17 =	sadd.s32 $0xFFFFFF80, s8;
	v30 =	vmov s18;
	v28 =	vshll.u32 v28, $0x1;
	p2 =	slt.u32 s0, $0xCC;
	[tilespmem:s12+$0x15200] =	vst v24;
	s12 =	sadd.s32 $0x120, s7  }
0x1f9: {  	s10 =	sand.u32 $0x1FF00, s10;
	s9 =	sadd.s32 $0xFFFFFEC0, s9;
	v24 =	vmov s17;
	v30 =	vshll.u32 v30, $0x1;
	v22 =	vld.idx.msk [tilespmem:v22+s15+$0x0], $0xffff;
	[tilespmem:s13+$0x15200] =	vst v25;
	s13 =	sand.u32 $0x50, s16;
	v25 =	vor.u32 v15, v16  }
0x1fa: {  	v29 =	vshll.u32 v29, $0x1;
	s16 =	sadd.s32 $0xFFFFFFA0, s2;
	s17 =	sadd.s32 $0x60, s7;
	s12 =	sand.u32 $0x1FF00, s12;
	v24 =	vshll.u32 v24, $0x1;
	v16 =	vbroadcast v30, $0x0;
	v30 =	vld.idx.msk [tilespmem:v23+s15+$0x0], $0xffff;
	[tilespmem:s11+$0x15280] =	vst v26  }
0x1fb: {  	s18 =	sand.u32 $0x70, s2;
	v26 =	vbroadcast v29, $0x0;
	s16 =	sand.u32 $0x50, s16;
	s17 =	sand.u32 $0x1FF00, s17;
	v24 =	vbroadcast v24, $0x0;
	v29 =	vld.idx.msk [tilespmem:v21+s15+$0x0], $0xffff  }
0x1fc: {  	v28 =	vbroadcast v28, $0x0;
	s11 =	sor.u32 s13, s10;
	s13 =	sor.u32 $0x80, s9;
	s10 =	sor.u32 s16, s17;
	v31 =	vor.u32 v11, v16  }
0x1fd: {  	s6 =	sadd.s32 $0x4, s6;
	s12 =	sor.u32 s18, s12;
	v32 =	vor.u32 v11, v26;
	v33 =	vor.u32 v12, v26;
	v34 =	vor.u32 v5, v24;
	[tilespmem:s10+$0x15280] =	vst v27  }
0x1fe: {  	p0 =	por !p0, !p0;
	p1 =	por !p1, !p1;
	v35 =	vor.u32 v5, v28;
	v36 =	vor.u32 v6, v28;
	v27 =	vor.u32 v6, v24;
	s10 =	simm.s32 $0x1;
	v25 =	vld.idx.msk [tilespmem:v25+s15+$0x0], $0xffff  }
0x1ff: {  	s9 =	sand.u32 $0x7, s6;
	v39 =	vor.u32 v7, v28;
	s16 =	simm.s32 $0x1;
	v37 =	vor.u32 v13, v26;
	v38 =	vor.u32 v7, v24;
	s10 =	simm.s32 @!p0 $0x0;
	[tilespmem:s1+$0x15200] =	vst v22  }
0x200: {  	v21 =	vor.u32 v8, v28;
	s16 =	simm.s32 @!p1 $0x0;
	v23 =	vor.u32 v8, v24;
	s1 =	sshll.u32 s9, $0x4;
	v22 =	vor.u32 v14, v26;
	s9 =	sshll.u32 s10, $0x6;
	[tilespmem:s3+$0x15280] =	vst v30  }
0x201: {  	v24 =	vor.u32 v9, v24;
	v26 =	vor.u32 v15, v26;
	s10 =	sadd.s32 $0x80, s7;
	s3 =	sshll.u32 s16, $0x6;
	s16 =	sadd.s32 $0xFFFFFFB0, s2;
	v30 =	vld.idx.msk [tilespmem:v31+s15+$0x0], $0xffff;
	[tilespmem:s5+$0x15280] =	vst v29  }
0x202: {  	v28 =	vor.u32 v9, v28;
	s2 =	sadd.s32 $0x140, s2;
	s5 =	sand.u32 $0x60, s16;
	s16 =	sand.u32 $0x1FF00, s10;
	v29 =	vld.idx.msk [tilespmem:v32+s15+$0x0], $0xffff;
	[tilespmem:s13+$0x15200] =	vst v19  }
0x203: {  	s7 =	sadd.s32 $0x280, s7;
	s13 =	sadd.s32 $0xFFFFFF70, s2;
	v32 =	vor.u32 v12, v16;
	s5 =	sor.u32 s5, s16;
	v31 =	vld.idx.msk [tilespmem:v34+s15+$0x0], $0xffff  }
0x204: {  	s16 =	sadd.s32 s7, s3;
	s3 =	sand.u32 $0x60, s13;
	s13 =	sand.u32 $0xFF00, s7;
	v34 =	vld.idx.msk [tilespmem:v35+s15+$0x0], $0xffff;
	[tilespmem:s5+$0x15280] =	vst v25  }
0x205: {  	s17 =	sadd.s32 $0xFFFFFF60, s7;
	s5 =	sadd.s32 $0xFFFFFF20, s2;
	s3 =	sor.u32 s3, s13;
	v19 =	vld.idx.msk [tilespmem:v17+s15+$0x0], $0xffff;
	v17 =	vmov v26  }
0x206: {  	s19 =	sadd.s32 $0xA0, s7;
	s13 =	sadd.s32 $0xFFFFFFC0, s2;
	s18 =	sadd.s32 $0x15200, s3;
	v25 =	vld.idx.msk [tilespmem:v18+s15+$0x0], $0xffff;
	v18 =	vmov v24  }
0x207: {  	s17 =	sand.u32 $0xFF00, s17;
	s3 =	sadd.s32 $0xFFFFFEC0, s16;
	s5 =	sand.u32 $0x50, s5;
	[tilespmem:s18+$0x80] =	vst v30;
	v24 =	vld.idx.msk [tilespmem:v20+s15+$0x0], $0xffff;
	v20 =	vmov v28  }
0x208: {  	s19 =	sand.u32 $0xFF00, s19;
	s13 =	sand.u32 $0x70, s13;
	s20 =	sor.u32 $0x80, s3;
	v26 =	vld.idx.msk [tilespmem:v32+s15+$0x0], $0xffff  }
0x209: {  	s5 =	sor.u32 s5, s17;
	s17 =	sadd.s32 $0xFFFFFF30, s2;
	s13 =	sor.u32 s13, s19;
	[tilespmem:s20+$0x15200] =	vst v29  }
0x20a: {  	s16 =	sadd.s32 $0xC0, s16;
	v29 =	vor.u32 v13, v16;
	v28 =	vld.idx.msk [tilespmem:v33+s15+$0x0], $0xffff;
	[tilespmem:s5+$0x15280] =	vst v31;
	s5 =	sand.u32 $0x60, s17;
	s17 =	sadd.s32 $0xFFFFFF80, s7  }
0x20b: {  	s19 =	sor.u32 $0x90, s3;
	s16 =	sor.u32 $0x80, s16;
	v27 =	vld.idx.msk [tilespmem:v27+s15+$0x0], $0xffff;
	s17 =	sand.u32 $0xFF00, s17;
	[tilespmem:s13+$0x15280] =	vst v34  }
0x20c: {  	s1 =	sadd.s32 s7, s1;
	s13 =	sadd.s32 $0xFFFFFFE0, s2;
	s5 =	sor.u32 s5, s17;
	v30 =	vld.idx.msk [tilespmem:v36+s15+$0x0], $0xffff;
	[tilespmem:s11+$0x15280] =	vst v25  }
0x20d: {  	s1 =	sadd.s32 $0xFFFFFF70, s1;
	s11 =	sand.u32 $0x50, s13;
	s17 =	sadd.s32 $0xE0, s7;
	[tilespmem:s12+$0x15280] =	vst v24  }
0x20e: {  	s13 =	sor.u32 $0xA0, s1;
	s12 =	sor.u32 $0xA0, s3;
	s1 =	sand.u32 $0x1FF00, s17;
	[tilespmem:s18+$0x90] =	vst v26  }
0x20f: {  	s17 =	sadd.s32 $0xFFFFFF50, s2;
	s18 =	sadd.s32 $0xFFFFFFC0, s7;
	s11 =	sor.u32 s11, s1;
	v29 =	vld.idx.msk [tilespmem:v29+s15+$0x0], $0xffff  }
0x210: {  	s17 =	sand.u32 $0x40, s17;
	s1 =	sadd.s32 $0xFFFFFFF0, s2;
	[tilespmem:s19+$0x15200] =	vst v28;
	s19 =	sadd.s32 $0x100, s7  }
0x211: {  	[tilespmem:s5+$0x15280] =	vst v27;
	s5 =	sand.u32 $0x1FF00, s18  }
.Ltmp8:
0x212: {  	v24 =	vld.idx.msk [tilespmem:v37+s15+$0x0], $0xffff;
	v27 =	vor.u32 v14, v16;
	s18 =	sand.u32 $0x60, s1;
	s19 =	sand.u32 $0x1FF00, s19;
	(pc) =	sbr.rel @p2 .LBB2_17-.Ltmp8, $4  }
0x213: {  	s21 =	sadd.s32 $0x40, s7;
	s20 =	sadd.s32 $0xFFFFFF90, s2;
	s1 =	sor.u32 $0xB0, s3;
	v25 =	vld.idx.msk [tilespmem:v38+s15+$0x0], $0xffff;
	[tilespmem:s16+$0x15200] =	vst v30  }
0x214: {  	s3 =	sor.u32 s17, s5;
	s5 =	sand.u32 $0x40, s20;
	s16 =	sand.u32 $0x1FF00, s21;
	v26 =	vld.idx.msk [tilespmem:v39+s15+$0x0], $0xffff  }
0x215: {  	s9 =	sadd.s32 s9, s10;
	s17 =	sor.u32 s5, s16;
	s5 =	sor.u32 s18, s19  }
0x216: {  	s8 =	sadd.s32 $0x100, s8;
	s10 =	sadd.s32 $0xFFFFFFE0, s7;
	s16 =	sadd.s32 $0xFFFFFF60, s2;
	[tilespmem:s17+$0x15280] =	vst v29  }
0x217: {  	_ =	sdelay $0x3  }
0x218: {  	v27 =	vld.idx.msk [tilespmem:v27+s15+$0x0], $0xffff;
	[tilespmem:s13+$0x15200] =	vst v25  }
0x219: {  	v16 =	vor.u32 v15, v16;
	v23 =	vld.idx.msk [tilespmem:v23+s15+$0x0], $0xffff  }
0x21a: {  	s0 =	sadd.s32 $0xFFFFFFA0, s2;
	s6 =	sadd.s32 $0x60, s7;
	[tilespmem:s11+$0x15280] =	vst v26  }
0x21b: {  	s0 =	sand.u32 $0x50, s0;
	s6 =	sand.u32 $0x1FF00, s6;
	v21 =	vld.idx.msk [tilespmem:v21+s15+$0x0], $0xffff  }
0x21c: {  	[tilespmem:s12+$0x15200] =	vst v24;
	s0 =	sor.u32 s0, s6  }
0x21d: {  	v22 =	vld.idx.msk [tilespmem:v22+s15+$0x0], $0xffff;
	[tilespmem:s0+$0x15280] =	vst v27  }
0x21e: {  	v16 =	vld.idx.msk [tilespmem:v16+s15+$0x0], $0xffff;
	[tilespmem:s3+$0x15280] =	vst v23  }
0x21f: {  	s19 =	sadd.s32 $0x120, s7;
	s8 =	sadd.s32 $0xFFFFFEC0, s9;
	v18 =	vld.idx.msk [tilespmem:v18+s15+$0x0], $0xffff  }
0x220: {  	s22 =	sadd.s32 $0x80, s7;
	s23 =	sadd.s32 $0xFFFFFFB0, s2;
	s8 =	sor.u32 $0x80, s8;
	[tilespmem:s5+$0x15280] =	vst v21  }
0x221: {  	s20 =	sand.u32 $0x50, s16;
	s7 =	sand.u32 $0x60, s23;
	s24 =	sand.u32 $0x1FF00, s22;
	[tilespmem:s8+$0x15200] =	vst v19;
	v20 =	vld.idx.msk [tilespmem:v20+s15+$0x0], $0xffff  }
0x222: {  	s21 =	sand.u32 $0x1FF00, s10;
	p0 =	por !p0, !p0;
	s7 =	sor.u32 s7, s24;
	[tilespmem:s1+$0x15200] =	vst v22  }
0x223: {  	s25 =	sand.u32 $0x70, s2;
	s3 =	sor.u32 s20, s21;
	s5 =	simm.s32 $0x1;
	[tilespmem:s7+$0x15280] =	vst v16  }
0x224: {  	s30 =	rddreg [dreg:$0x1];
	s0 =	sand.u32 $0x1FF00, s19;
	v17 =	vld.idx.msk [tilespmem:v17+s15+$0x0], $0xffff;
	s5 =	simm.s32 @!p0 $0x0;
	[tilespmem:s3+$0x15280] =	vst v18  }
0x225: {  	s0 =	sor.u32 s25, s0;
	s5 =	sshll.u32 s5, $0x6;
	s26 =	rddreg [dreg:$0x9]  }
0x226: {  	s1 =	sadd.s32 s5, s22;
	s3 =	rddreg [dreg:$0xe];
	[tilespmem:s0+$0x15280] =	vst v20  }
0x227: {  	s1 =	sadd.s32 $0xFFFFFEC0, s1;
	s2 =	sadd.s32 s3, s26;
	s3 =	rddreg [dreg:$0xd]  }
0x228: {  	s28 =	sor.u32 $0x80, s1;
	p0 =	seq.s32 s3, $0x11;
	s29 =	sshrl.u32 s2, $0x3  }
0x229: {  	s31 =	simm.s32 $0x15200;
	[tilespmem:s28+$0x15200] =	vst v17;
	s0 =	sadd.s32 s30, s29;
	s1 =	smul.u32 @!p0 $0xD000, s3  }
0x22a: {  	[hbm4b:s0+s4] =	stream.linear.scatter [tilespmem:s31], [sflag:$0x4], $0x8200, $0x38;
	[tilespmem:$0x1E200] =	vst v63  }
0x22b: {  	s0 =	rddreg [dreg:$0xa]  }
0x22c: {  	s0 =	sadd.s32 @!p0 s1, s0  }
0x22d: {  	s1 =	rddreg [dreg:$0x0];
	s0 =	sshrl.u32 @!p0 s0, $0x3  }
0x22e: {  	s2 =	simm.s32 @!p0 $0x6800;
	s0 =	sadd.s32 @!p0 s1, s0;
	s1 =	simm.s32 @!p0 $0x0  }
0x22f: {  	[tilespmem:s2], [sflag:$0x2] =	stream.linear.gather @!p0 [hbm4b:s0+s1], $0x6800, $0x38;
	[tilespmem:$0x1E200] =	vst v63  }
0x230: {  	s2 =	rddreg [dreg:$0xf]  }
0x231: {  	p1 =	sne.s32 @!p0 s2, $0x12  }
0x232: {  	p0 =	por p0, !p1  }
.Ltmp9:
0x233: {  	_ = 	snop;
	(pc) =	sbr.rel @!p0 .LBB2_6-.Ltmp9, $1  }
0x234: {  	_ =	sdelay $0x3  }
0x235: {  	s0 =	simm.s32 $0x3  }
0x236: {  	_ =	swait.ge [sflag:s0], $0x8200  }
0x237: {  	[sflag:s0] =	ssyncset.done $0x0  }
0x238: {  	s30 =	simm.s32 $0x4;
	[sflag:s0] =	ssyncadd.s32 $0xFFFF7E00  }
0x239: {  	_ =	swait.ge [sflag:s30], $0x8200  }
0x23a: {  	[sflag:s30] =	ssyncset.done $0x0  }
0x23b: {  	s1 =	simm.s32 $0x6;
	[sflag:s30] =	ssyncadd.s32 $0xFFFF7E00  }
0x23c: {  	_ =	swait.ge [sflag:s1], $0x800  }
0x23d: {  	s2 =	rddreg [dreg:$0xc]  }
0x23e: {  	s31 =	rddreg [dreg:$0xb];
	s2 =	sadd.s32 $0x1, s2  }
0x23f: {  	p0 =	sne.s32 s2, s31  }
.Ltmp10:
0x240: {  	_ = 	snop;
	(pc) =	sbr.rel @p0 .LBB2_1-.Ltmp10, $3  }
0x241: {  	_ =	sdelay $0x1  }
0x242: {  	[sflag:s1] =	ssyncset.done $0x0  }
0x243: {  	[sflag:s1] =	ssyncadd.s32 $0xFFFFF800  }
0x244: {  	_ =	sfence.sel $0x180000  }
0x245: {  	[bflag:$0x0] =	sbarrier.arrive $0xFFFF  }
0x246: {  	_ =	strace $0x90000047  }
0x247: {  	s0 =	stileid.u32;
	[bflag:$0x2] =	sbarrier.arrive $0xFFFF  }
0x248: {  	p0 =	sne.s32 s0, $0x0;
	s0 =	rddreg [dreg:$0x2]  }
0x249: {  	s0 =	sadd.s32 @!p0 $0x100000, s0  }
0x24a: {  	[sflag:s0] =	ssyncadd.tile.s32 @!p0 $0x1;
	_ =	shalt  }
.Lfunc_end2:
_tile_overlayer_lowered:
.L_overlay_start_2:
0x24b: {  	(tag) =	ssettag $0x2  }
0x24c: {  	s0 =	rddreg [dreg:$0x0];
	s2 =	stileid.u32  }
0x24d: {  	s1 =	rddreg [dreg:$0x1];
	p0 =	sne.s32 s2, $0x0  }
0x24e: {  	s3 =	rddreg [dreg:$0x2];
	[bflag:$0x3] =	sbarrier.arrive $0xFFFF;
	s2 =	simm.s32 @!p0 $0x1C07  }
0x24f: {  	[timem:s3], [sflag:s2] =	dma.local @!p0 [hbm:s0], s1  }
0x250: {  	s0 =	simm.s32 @!p0 $0x7  }
0x251: {  	_ =	swait.ge @!p0 [sflag:s0], s1  }
0x252: {  	s1 =	ssub.s32 @!p0 $0x0, s1;
	[sflag:s0] =	ssyncset.done @!p0 $0x0  }
0x253: {  	[sflag:s0] =	ssyncadd.s32 @!p0 s1  }
0x254: {  	[bflag:$0x3] =	sbarrier.arrive $0xFFFF  }
0x255: {  	_ =	shalt  }

</sc_bundles>
